<compile_context>
chip_gen: v7x
topology: tpu7x:2x2x1
jax: 0.10.2.dev20260603
libtpu: 0.0.44.dev20260713+nightly
codegen_flags: <defaults>
</compile_context>

<pallas_src>
import functools

import jax
import jax.numpy as jnp
from jax import lax
from jax.experimental import pallas as pl
from jax.experimental.pallas import tpu as pltpu
from jax.experimental.pallas import tpu_sc as plsc

L = 2048
N_BASES = 4
BI = 128
NI = L // BI

NW = 32
ROWS_PER_W = L // NW
CH = 16
NCH = ROWS_PER_W // CH
VECS_PER_BUF = CH * L // 16


def _tc_body(seqrow_ref, seqcol_ref, out8_ref):
    col = seqcol_ref[:, :]
    row = seqrow_ref[:, :]
    for c in range(N_BASES):
        out8_ref[c] = jnp.broadcast_to(
            (col == c).astype(jnp.float32), (BI, L))
        out8_ref[c + N_BASES] = jnp.broadcast_to(
            (row == c).astype(jnp.float32), (BI, L))


@functools.partial(
    pl.kernel,
    out_type=jax.ShapeDtypeStruct((L, L), jnp.float32),
    mesh=plsc.VectorSubcoreMesh(core_axis_name="c", subcore_axis_name="s"),
    scratch_types=[
        pltpu.VMEM((ROWS_PER_W,), jnp.int32),
        pltpu.VMEM((CH, L), jnp.float32),
    ],
    cost_estimate=pl.CostEstimate(
        flops=0, transcendentals=0, bytes_accessed=4 * L * L),
    compiler_params=pltpu.CompilerParams(
        has_side_effects=False, skip_device_barrier=True),
)
def _sc_idx(pairs_hbm, out_hbm, pairs_v, buf):
    wid = lax.axis_index("s") * 2 + lax.axis_index("c")
    base = wid * ROWS_PER_W
    pltpu.sync_copy(pairs_hbm.at[pl.ds(base, ROWS_PER_W)], pairs_v)

    zeros16 = jnp.zeros((16,), jnp.float32)
    lane = lax.iota(jnp.int32, 16)
    one16 = jnp.full((16,), 1, dtype=jnp.int32)

    def zero_body(k, carry):
        r = k >> 3
        c0 = (k & 7) * 256
        for u in range(16):
            buf[r, pl.ds(c0 + u * 16, 16)] = zeros16
        return carry

    lax.fori_loop(0, CH * 8, zero_body, 0)

    def chunk_body(c, carry):
        pv = pairs_v[pl.ds(c * CH, CH)]
        offs = []
        for r in range(CH):
            p = pv[r]
            c0 = (p // 16) * 16
            offs.append(c0)
            pmv = jnp.full((16,), p % 16, dtype=jnp.int32)
            onehot = lax.shift_right_logical(one16, lane ^ pmv)
            buf[r, pl.ds(c0, 16)] = onehot.astype(jnp.float32)
        pltpu.sync_copy(buf, out_hbm.at[pl.ds(base + c * CH, CH)])
        for r in range(CH):
            buf[r, pl.ds(offs[r], 16)] = zeros16
        return carry

    lax.fori_loop(0, NCH, chunk_body, 0)


def kernel(seq, pairs, base_table):
    del base_table
    seqrow = seq.reshape(1, L)
    seqcol = seq.reshape(L, 1)
    idx = _sc_idx(pairs)
    out8 = pl.pallas_call(
        _tc_body,
        grid=(NI,),
        in_specs=[
            pl.BlockSpec((1, L), lambda i: (0, 0)),
            pl.BlockSpec((BI, 1), lambda i: (i, 0)),
        ],
        out_specs=pl.BlockSpec((2 * N_BASES, BI, L), lambda i: (0, i, 0)),
        out_shape=jax.ShapeDtypeStruct((2 * N_BASES, L, L), jnp.float32),
        cost_estimate=pl.CostEstimate(
            flops=0, transcendentals=0, bytes_accessed=32 * L * L),
        compiler_params=pltpu.CompilerParams(has_side_effects=False),
    )(seqrow, seqcol)
    return (out8.reshape(1, 2 * N_BASES, L, L), idx.reshape(1, 1, L, L))

# --- scband reference (transcript-rebuilt; emitter-appended) ---
"""Pipeline reference for scband-bpseq-embedding-16647293239444 (READ-ONLY COPY).

The authoritative reference and input builder live on the scoring server;
editing this copy changes nothing except your own understanding.
"""

import jax, jax.numpy as jnp
import numpy as np

L = 2048
N_BASES = 4


def setup_inputs(seed: int = 0) -> dict:
    key = jax.random.key(seed)
    k1, k2 = jax.random.split(key)
    # base indices in [0, N_BASES): equivalent to the sequence string 'acgu' chars
    seq = jax.random.randint(k1, (L,), 0, N_BASES, dtype=jnp.int32)
    # pairing partner index for each position (bpseq j column, 0-indexed)
    pairs = jax.random.randint(k2, (L,), 0, L, dtype=jnp.int32)
    # BASE_DICT one-hot table: identity over the 4 bases
    base_table = jnp.eye(N_BASES, dtype=jnp.float32)
    return {"seq": seq, "pairs": pairs, "base_table": base_table}


def reference(seq, pairs, base_table):
    # SequenceEmbedding: one_hot = stack([BASE_DICT[char] for char in sequence])
    one_hot = jnp.take(base_table, seq, axis=0)  # [L, N_BASES]
    Lq = one_hot.shape[0]
    # ret[:, i, j] = concat(one_hot[i], one_hot[j])
    a = jnp.broadcast_to(jnp.transpose(one_hot)[:, :, None], (N_BASES, Lq, Lq))
    b = jnp.broadcast_to(jnp.transpose(one_hot)[:, None, :], (N_BASES, Lq, Lq))
    seq_ret = jnp.concatenate([a, b], axis=0)[None, :, :, :]  # [1, 2*N_BASES, L, L]
    # BpseqEmbedding: idx_ret[i-1, j-1] = 1.0 (pairing contact map)
    idx_ret = jnp.zeros((Lq, Lq), dtype=base_table.dtype)
    idx_ret = idx_ret.at[jnp.arange(Lq), pairs].set(1.0)
    idx_ret = idx_ret[None, None, :, :]  # [1, 1, L, L]
    return (seq_ret, idx_ret)

if __name__ == "__main__":
    import jax
    _d = setup_inputs()
    print(jax.jit(kernel)(*tuple(_d.values())))

</pallas_src>

<mosaic_0001>
#map = affine_map<(d0, d1) -> (0)>
#map1 = affine_map<(d0, d1) -> (0, 0)>
module attributes {stable_mosaic.version = 14 : i64} {
  func.func @_sc_idx(%arg0: i32, %arg1: i32, %arg2: memref<2048xi32, #tpu.memory_space<hbm>>, %arg3: memref<2048x2048xf32, #tpu.memory_space<hbm>>, %arg4: memref<64xi32, #tpu.memory_space<vmem>>, %arg5: memref<16x2048xf32, #tpu.memory_space<vmem>>) attributes {dimension_semantics = [#tpu.dimension_semantics<core_parallel>, #tpu.dimension_semantics<subcore_parallel>], iteration_bounds = array<i64: 2, 16>, scalar_prefetch = 0 : i64, scratch_operands = 2 : i64, tpu.core_type = #tpu.core_type<sc_vector_subcore>, window_params = [{transform_indices = #map}, {transform_indices = #map1}]} {
    %mul3A = arith.constant 2 : i32
    %mul3A_0 = arith.muli %arg1, %mul3A : i32
    %add3A = arith.addi %mul3A_0, %arg0 : i32
    %mul3A_1 = arith.constant 64 : i32
    %mul3A_2 = arith.muli %add3A, %mul3A_1 : i32
    "tpu.region"() ({
      %run_scoped3A = tpu.sem_alloc : memref<!tpu.dma_semaphore, #tpu.memory_space<semaphore_mem>>
      %dma_start3A = tpu.memref_slice %arg2[%mul3A_2] : memref<2048xi32, #tpu.memory_space<hbm>> -> memref<64xi32, #tpu.memory_space<hbm>>
      %dma_start3A_17 = tpu.memref_slice %arg2[%mul3A_2] : memref<2048xi32, #tpu.memory_space<hbm>> -> memref<64xi32, #tpu.memory_space<hbm>>
      tpu.enqueue_dma source(%dma_start3A_17 : memref<64xi32, #tpu.memory_space<hbm>>) target(%arg4 : memref<64xi32, #tpu.memory_space<vmem>>) target_semaphore(%run_scoped3A : memref<!tpu.dma_semaphore, #tpu.memory_space<semaphore_mem>>)
      %dma_wait3A = tpu.memref_slice %arg2[%mul3A_2] : memref<2048xi32, #tpu.memory_space<hbm>> -> memref<64xi32, #tpu.memory_space<hbm>>
      %dma_wait3A_18 = tpu.memref_slice %arg2[%mul3A_2] : memref<2048xi32, #tpu.memory_space<hbm>> -> memref<64xi32, #tpu.memory_space<hbm>>
      tpu.wait_dma2 semaphore(%run_scoped3A : memref<!tpu.dma_semaphore, #tpu.memory_space<semaphore_mem>>) src(%dma_wait3A_18 : memref<64xi32, #tpu.memory_space<hbm>>) dst(%arg4 : memref<64xi32, #tpu.memory_space<vmem>>)
      tpu.yield
    }) : () -> ()
    %broadcast_in_dim3A = arith.constant 0.000000e+00 : f32
    %broadcast_in_dim3A_3 = vector.broadcast %broadcast_in_dim3A : f32 to vector<16xf32>
    %iota3A = tpu.iota {dimensions = array<i32: 0>} : vector<16xi32>
    %broadcast_in_dim3A_4 = arith.constant 1 : i32
    %broadcast_in_dim3A_5 = vector.broadcast %broadcast_in_dim3A_4 : i32 to vector<16xi32>
    %scan3A = arith.constant 0 : i32
    %scan3A_6 = arith.constant 0 : i32
    %scan3A_7 = arith.constant 128 : i32
    %scan3A_8 = arith.addi %scan3A_6, %scan3A_7 : i32
    %scan3A_9 = arith.constant 1 : i32
    scf.for %scan3A_17 = %scan3A_6 to %scan3A_8 step %scan3A_9  : i32 {
      %shift_right_arithmetic3A = arith.constant 3 : i32
      %shift_right_arithmetic3A_18 = arith.shrsi %scan3A_17, %shift_right_arithmetic3A : i32
      %and3A = arith.constant 7 : i32
      %and3A_19 = arith.andi %scan3A_17, %and3A : i32
      %mul3A_20 = arith.constant 256 : i32
      %mul3A_21 = arith.muli %and3A_19, %mul3A_20 : i32
      %add3A_22 = arith.constant 0 : i32
      %add3A_23 = arith.addi %mul3A_21, %add3A_22 : i32
      %swap3A = arith.index_cast %shift_right_arithmetic3A_18 : i32 to index
      %swap3A_24 = arith.index_cast %add3A_23 : i32 to index
      %swap3A_25 = tpu.vector_load %arg5[%swap3A, %swap3A_24] {strides = array<i32>} : memref<16x2048xf32, #tpu.memory_space<vmem>>, vector<1x16xf32>,
      %swap3A_26 = vector.shape_cast %swap3A_25 : vector<1x16xf32> to vector<16xf32>
      %swap3A_27 = vector.shape_cast %broadcast_in_dim3A_3 : vector<16xf32> to vector<1x16xf32>
      tpu.vector_store %arg5[%swap3A, %swap3A_24], %swap3A_27 {strides = array<i32>} : memref<16x2048xf32, #tpu.memory_space<vmem>>, vector<1x16xf32>,
      %add3A_28 = arith.constant 16 : i32
      %add3A_29 = arith.addi %mul3A_21, %add3A_28 : i32
      %swap3A_30 = arith.index_cast %shift_right_arithmetic3A_18 : i32 to index
      %swap3A_31 = arith.index_cast %add3A_29 : i32 to index
      %swap3A_32 = tpu.vector_load %arg5[%swap3A_30, %swap3A_31] {strides = array<i32>} : memref<16x2048xf32, #tpu.memory_space<vmem>>, vector<1x16xf32>,
      %swap3A_33 = vector.shape_cast %swap3A_32 : vector<1x16xf32> to vector<16xf32>
      %swap3A_34 = vector.shape_cast %broadcast_in_dim3A_3 : vector<16xf32> to vector<1x16xf32>
      tpu.vector_store %arg5[%swap3A_30, %swap3A_31], %swap3A_34 {strides = array<i32>} : memref<16x2048xf32, #tpu.memory_space<vmem>>, vector<1x16xf32>,
      %add3A_35 = arith.constant 32 : i32
      %add3A_36 = arith.addi %mul3A_21, %add3A_35 : i32
      %swap3A_37 = arith.index_cast %shift_right_arithmetic3A_18 : i32 to index
      %swap3A_38 = arith.index_cast %add3A_36 : i32 to index
      %swap3A_39 = tpu.vector_load %arg5[%swap3A_37, %swap3A_38] {strides = array<i32>} : memref<16x2048xf32, #tpu.memory_space<vmem>>, vector<1x16xf32>,
      %swap3A_40 = vector.shape_cast %swap3A_39 : vector<1x16xf32> to vector<16xf32>
      %swap3A_41 = vector.shape_cast %broadcast_in_dim3A_3 : vector<16xf32> to vector<1x16xf32>
      tpu.vector_store %arg5[%swap3A_37, %swap3A_38], %swap3A_41 {strides = array<i32>} : memref<16x2048xf32, #tpu.memory_space<vmem>>, vector<1x16xf32>,
      %add3A_42 = arith.constant 48 : i32
      %add3A_43 = arith.addi %mul3A_21, %add3A_42 : i32
      %swap3A_44 = arith.index_cast %shift_right_arithmetic3A_18 : i32 to index
      %swap3A_45 = arith.index_cast %add3A_43 : i32 to index
      %swap3A_46 = tpu.vector_load %arg5[%swap3A_44, %swap3A_45] {strides = array<i32>} : memref<16x2048xf32, #tpu.memory_space<vmem>>, vector<1x16xf32>,
      %swap3A_47 = vector.shape_cast %swap3A_46 : vector<1x16xf32> to vector<16xf32>
      %swap3A_48 = vector.shape_cast %broadcast_in_dim3A_3 : vector<16xf32> to vector<1x16xf32>
      tpu.vector_store %arg5[%swap3A_44, %swap3A_45], %swap3A_48 {strides = array<i32>} : memref<16x2048xf32, #tpu.memory_space<vmem>>, vector<1x16xf32>,
      %add3A_49 = arith.constant 64 : i32
      %add3A_50 = arith.addi %mul3A_21, %add3A_49 : i32
      %swap3A_51 = arith.index_cast %shift_right_arithmetic3A_18 : i32 to index
      %swap3A_52 = arith.index_cast %add3A_50 : i32 to index
      %swap3A_53 = tpu.vector_load %arg5[%swap3A_51, %swap3A_52] {strides = array<i32>} : memref<16x2048xf32, #tpu.memory_space<vmem>>, vector<1x16xf32>,
      %swap3A_54 = vector.shape_cast %swap3A_53 : vector<1x16xf32> to vector<16xf32>
      %swap3A_55 = vector.shape_cast %broadcast_in_dim3A_3 : vector<16xf32> to vector<1x16xf32>
      tpu.vector_store %arg5[%swap3A_51, %swap3A_52], %swap3A_55 {strides = array<i32>} : memref<16x2048xf32, #tpu.memory_space<vmem>>, vector<1x16xf32>,
      %add3A_56 = arith.constant 80 : i32
      %add3A_57 = arith.addi %mul3A_21, %add3A_56 : i32
      %swap3A_58 = arith.index_cast %shift_right_arithmetic3A_18 : i32 to index
      %swap3A_59 = arith.index_cast %add3A_57 : i32 to index
      %swap3A_60 = tpu.vector_load %arg5[%swap3A_58, %swap3A_59] {strides = array<i32>} : memref<16x2048xf32, #tpu.memory_space<vmem>>, vector<1x16xf32>,
      %swap3A_61 = vector.shape_cast %swap3A_60 : vector<1x16xf32> to vector<16xf32>
      %swap3A_62 = vector.shape_cast %broadcast_in_dim3A_3 : vector<16xf32> to vector<1x16xf32>
      tpu.vector_store %arg5[%swap3A_58, %swap3A_59], %swap3A_62 {strides = array<i32>} : memref<16x2048xf32, #tpu.memory_space<vmem>>, vector<1x16xf32>,
      %add3A_63 = arith.constant 96 : i32
      %add3A_64 = arith.addi %mul3A_21, %add3A_63 : i32
      %swap3A_65 = arith.index_cast %shift_right_arithmetic3A_18 : i32 to index
      %swap3A_66 = arith.index_cast %add3A_64 : i32 to index
      %swap3A_67 = tpu.vector_load %arg5[%swap3A_65, %swap3A_66] {strides = array<i32>} : memref<16x2048xf32, #tpu.memory_space<vmem>>, vector<1x16xf32>,
      %swap3A_68 = vector.shape_cast %swap3A_67 : vector<1x16xf32> to vector<16xf32>
      %swap3A_69 = vector.shape_cast %broadcast_in_dim3A_3 : vector<16xf32> to vector<1x16xf32>
      tpu.vector_store %arg5[%swap3A_65, %swap3A_66], %swap3A_69 {strides = array<i32>} : memref<16x2048xf32, #tpu.memory_space<vmem>>, vector<1x16xf32>,
      %add3A_70 = arith.constant 112 : i32
      %add3A_71 = arith.addi %mul3A_21, %add3A_70 : i32
      %swap3A_72 = arith.index_cast %shift_right_arithmetic3A_18 : i32 to index
      %swap3A_73 = arith.index_cast %add3A_71 : i32 to index
      %swap3A_74 = tpu.vector_load %arg5[%swap3A_72, %swap3A_73] {strides = array<i32>} : memref<16x2048xf32, #tpu.memory_space<vmem>>, vector<1x16xf32>,
      %swap3A_75 = vector.shape_cast %swap3A_74 : vector<1x16xf32> to vector<16xf32>
      %swap3A_76 = vector.shape_cast %broadcast_in_dim3A_3 : vector<16xf32> to vector<1x16xf32>
      tpu.vector_store %arg5[%swap3A_72, %swap3A_73], %swap3A_76 {strides = array<i32>} : memref<16x2048xf32, #tpu.memory_space<vmem>>, vector<1x16xf32>,
      %add3A_77 = arith.constant 128 : i32
      %add3A_78 = arith.addi %mul3A_21, %add3A_77 : i32
      %swap3A_79 = arith.index_cast %shift_right_arithmetic3A_18 : i32 to index
      %swap3A_80 = arith.index_cast %add3A_78 : i32 to index
      %swap3A_81 = tpu.vector_load %arg5[%swap3A_79, %swap3A_80] {strides = array<i32>} : memref<16x2048xf32, #tpu.memory_space<vmem>>, vector<1x16xf32>,
      %swap3A_82 = vector.shape_cast %swap3A_81 : vector<1x16xf32> to vector<16xf32>
      %swap3A_83 = vector.shape_cast %broadcast_in_dim3A_3 : vector<16xf32> to vector<1x16xf32>
      tpu.vector_store %arg5[%swap3A_79, %swap3A_80], %swap3A_83 {strides = array<i32>} : memref<16x2048xf32, #tpu.memory_space<vmem>>, vector<1x16xf32>,
      %add3A_84 = arith.constant 144 : i32
      %add3A_85 = arith.addi %mul3A_21, %add3A_84 : i32
      %swap3A_86 = arith.index_cast %shift_right_arithmetic3A_18 : i32 to index
      %swap3A_87 = arith.index_cast %add3A_85 : i32 to index
      %swap3A_88 = tpu.vector_load %arg5[%swap3A_86, %swap3A_87] {strides = array<i32>} : memref<16x2048xf32, #tpu.memory_space<vmem>>, vector<1x16xf32>,
      %swap3A_89 = vector.shape_cast %swap3A_88 : vector<1x16xf32> to vector<16xf32>
      %swap3A_90 = vector.shape_cast %broadcast_in_dim3A_3 : vector<16xf32> to vector<1x16xf32>
      tpu.vector_store %arg5[%swap3A_86, %swap3A_87], %swap3A_90 {strides = array<i32>} : memref<16x2048xf32, #tpu.memory_space<vmem>>, vector<1x16xf32>,
      %add3A_91 = arith.constant 160 : i32
      %add3A_92 = arith.addi %mul3A_21, %add3A_91 : i32
      %swap3A_93 = arith.index_cast %shift_right_arithmetic3A_18 : i32 to index
      %swap3A_94 = arith.index_cast %add3A_92 : i32 to index
      %swap3A_95 = tpu.vector_load %arg5[%swap3A_93, %swap3A_94] {strides = array<i32>} : memref<16x2048xf32, #tpu.memory_space<vmem>>, vector<1x16xf32>,
      %swap3A_96 = vector.shape_cast %swap3A_95 : vector<1x16xf32> to vector<16xf32>
      %swap3A_97 = vector.shape_cast %broadcast_in_dim3A_3 : vector<16xf32> to vector<1x16xf32>
      tpu.vector_store %arg5[%swap3A_93, %swap3A_94], %swap3A_97 {strides = array<i32>} : memref<16x2048xf32, #tpu.memory_space<vmem>>, vector<1x16xf32>,
      %add3A_98 = arith.constant 176 : i32
      %add3A_99 = arith.addi %mul3A_21, %add3A_98 : i32
      %swap3A_100 = arith.index_cast %shift_right_arithmetic3A_18 : i32 to index
      %swap3A_101 = arith.index_cast %add3A_99 : i32 to index
      %swap3A_102 = tpu.vector_load %arg5[%swap3A_100, %swap3A_101] {strides = array<i32>} : memref<16x2048xf32, #tpu.memory_space<vmem>>, vector<1x16xf32>,
      %swap3A_103 = vector.shape_cast %swap3A_102 : vector<1x16xf32> to vector<16xf32>
      %swap3A_104 = vector.shape_cast %broadcast_in_dim3A_3 : vector<16xf32> to vector<1x16xf32>
      tpu.vector_store %arg5[%swap3A_100, %swap3A_101], %swap3A_104 {strides = array<i32>} : memref<16x2048xf32, #tpu.memory_space<vmem>>, vector<1x16xf32>,
      %add3A_105 = arith.constant 192 : i32
      %add3A_106 = arith.addi %mul3A_21, %add3A_105 : i32
      %swap3A_107 = arith.index_cast %shift_right_arithmetic3A_18 : i32 to index
      %swap3A_108 = arith.index_cast %add3A_106 : i32 to index
      %swap3A_109 = tpu.vector_load %arg5[%swap3A_107, %swap3A_108] {strides = array<i32>} : memref<16x2048xf32, #tpu.memory_space<vmem>>, vector<1x16xf32>,
      %swap3A_110 = vector.shape_cast %swap3A_109 : vector<1x16xf32> to vector<16xf32>
      %swap3A_111 = vector.shape_cast %broadcast_in_dim3A_3 : vector<16xf32> to vector<1x16xf32>
      tpu.vector_store %arg5[%swap3A_107, %swap3A_108], %swap3A_111 {strides = array<i32>} : memref<16x2048xf32, #tpu.memory_space<vmem>>, vector<1x16xf32>,
      %add3A_112 = arith.constant 208 : i32
      %add3A_113 = arith.addi %mul3A_21, %add3A_112 : i32
      %swap3A_114 = arith.index_cast %shift_right_arithmetic3A_18 : i32 to index
      %swap3A_115 = arith.index_cast %add3A_113 : i32 to index
      %swap3A_116 = tpu.vector_load %arg5[%swap3A_114, %swap3A_115] {strides = array<i32>} : memref<16x2048xf32, #tpu.memory_space<vmem>>, vector<1x16xf32>,
      %swap3A_117 = vector.shape_cast %swap3A_116 : vector<1x16xf32> to vector<16xf32>
      %swap3A_118 = vector.shape_cast %broadcast_in_dim3A_3 : vector<16xf32> to vector<1x16xf32>
      tpu.vector_store %arg5[%swap3A_114, %swap3A_115], %swap3A_118 {strides = array<i32>} : memref<16x2048xf32, #tpu.memory_space<vmem>>, vector<1x16xf32>,
      %add3A_119 = arith.constant 224 : i32
      %add3A_120 = arith.addi %mul3A_21, %add3A_119 : i32
      %swap3A_121 = arith.index_cast %shift_right_arithmetic3A_18 : i32 to index
      %swap3A_122 = arith.index_cast %add3A_120 : i32 to index
      %swap3A_123 = tpu.vector_load %arg5[%swap3A_121, %swap3A_122] {strides = array<i32>} : memref<16x2048xf32, #tpu.memory_space<vmem>>, vector<1x16xf32>,
      %swap3A_124 = vector.shape_cast %swap3A_123 : vector<1x16xf32> to vector<16xf32>
      %swap3A_125 = vector.shape_cast %broadcast_in_dim3A_3 : vector<16xf32> to vector<1x16xf32>
      tpu.vector_store %arg5[%swap3A_121, %swap3A_122], %swap3A_125 {strides = array<i32>} : memref<16x2048xf32, #tpu.memory_space<vmem>>, vector<1x16xf32>,
      %add3A_126 = arith.constant 240 : i32
      %add3A_127 = arith.addi %mul3A_21, %add3A_126 : i32
      %swap3A_128 = arith.index_cast %shift_right_arithmetic3A_18 : i32 to index
      %swap3A_129 = arith.index_cast %add3A_127 : i32 to index
      %swap3A_130 = tpu.vector_load %arg5[%swap3A_128, %swap3A_129] {strides = array<i32>} : memref<16x2048xf32, #tpu.memory_space<vmem>>, vector<1x16xf32>,
      %swap3A_131 = vector.shape_cast %swap3A_130 : vector<1x16xf32> to vector<16xf32>
      %swap3A_132 = vector.shape_cast %broadcast_in_dim3A_3 : vector<16xf32> to vector<1x16xf32>
      tpu.vector_store %arg5[%swap3A_128, %swap3A_129], %swap3A_132 {strides = array<i32>} : memref<16x2048xf32, #tpu.memory_space<vmem>>, vector<1x16xf32>,
    }
    %scan3A_10 = arith.constant 128 : i32
    %scan3A_11 = arith.constant 0 : i32
    %scan3A_12 = arith.constant 0 : i32
    %scan3A_13 = arith.constant 4 : i32
    %scan3A_14 = arith.addi %scan3A_12, %scan3A_13 : i32
    %scan3A_15 = arith.constant 1 : i32
    scf.for %scan3A_17 = %scan3A_12 to %scan3A_14 step %scan3A_15  : i32 {
      %mul3A_18 = arith.constant 16 : i32
      %mul3A_19 = arith.muli %scan3A_17, %mul3A_18 : i32
      %get3A = arith.index_cast %mul3A_19 : i32 to index
      %get3A_20 = tpu.vector_load %arg4[%get3A] {strides = array<i32>} : memref<64xi32, #tpu.memory_space<vmem>>, vector<16xi32>,
      %get3A_21 = vector.shape_cast %get3A_20 : vector<16xi32> to vector<16xi32>
      %slice3A = vector.extract_strided_slice %get3A_21 {offsets = [0], sizes = [1], strides = [1]} : vector<16xi32> to vector<1xi32>
      %squeeze3A = vector.extract %slice3A[0] : i32 from vector<1xi32>
      %jit3A = arith.constant 16 : i32
      %div3A = arith.divsi %squeeze3A, %jit3A : i32
      %sign3A = arith.constant 0 : i32
      %sign3A_22 = arith.cmpi sgt, %squeeze3A, %sign3A : i32
      %sign3A_23 = arith.extui %sign3A_22 : i1 to i32
      %sign3A_24 = arith.constant 0 : i32
      %sign3A_25 = arith.cmpi slt, %squeeze3A, %sign3A_24 : i32
      %sign3A_26 = arith.extui %sign3A_25 : i1 to i32
      %sign3A_27 = arith.subi %sign3A_23, %sign3A_26 : i32
      %sign3A_28 = arith.constant 0 : i32
      %sign3A_29 = arith.cmpi sgt, %jit3A, %sign3A_28 : i32
      %sign3A_30 = arith.extui %sign3A_29 : i1 to i32
      %sign3A_31 = arith.constant 0 : i32
      %sign3A_32 = arith.cmpi slt, %jit3A, %sign3A_31 : i32
      %sign3A_33 = arith.extui %sign3A_32 : i1 to i32
      %sign3A_34 = arith.subi %sign3A_30, %sign3A_33 : i32
      %ne3A = arith.cmpi ne, %sign3A_27, %sign3A_34 : i32
      %rem3A = arith.remsi %squeeze3A, %jit3A : i32
      %ne3A_35 = arith.constant 0 : i32
      %ne3A_36 = arith.cmpi ne, %rem3A, %ne3A_35 : i32
      %and3A = arith.andi %ne3A, %ne3A_36 : i1
      %sub3A = arith.constant 1 : i32
      %sub3A_37 = arith.subi %div3A, %sub3A : i32
      %select_n3A = arith.select %and3A, %sub3A_37, %div3A : i32
      %mul3A_38 = arith.constant 16 : i32
      %mul3A_39 = arith.muli %select_n3A, %mul3A_38 : i32
      %jit3A_40 = arith.constant 16 : i32
      %eq3A = arith.constant 0 : i32
      %eq3A_41 = arith.cmpi eq, %jit3A_40, %eq3A : i32
      %jit3A_42 = arith.constant 1 : i32
      %select_n3A_43 = arith.select %eq3A_41, %jit3A_42, %jit3A_40 : i32
      %rem3A_44 = arith.remsi %squeeze3A, %select_n3A_43 : i32
      %ne3A_45 = arith.constant 0 : i32
      %ne3A_46 = arith.cmpi ne, %rem3A_44, %ne3A_45 : i32
      %lt3A = arith.constant 0 : i32
      %lt3A_47 = arith.cmpi slt, %rem3A_44, %lt3A : i32
      %lt3A_48 = arith.constant 0 : i32
      %lt3A_49 = arith.cmpi slt, %select_n3A_43, %lt3A_48 : i32
      %ne3A_50 = arith.xori %lt3A_47, %lt3A_49 : i1
      %and3A_51 = arith.andi %ne3A_50, %ne3A_46 : i1
      %add3A_52 = arith.addi %rem3A_44, %select_n3A_43 : i32
      %select_n3A_53 = arith.select %and3A_51, %add3A_52, %rem3A_44 : i32
      %broadcast_in_dim3A_54 = vector.broadcast %select_n3A_53 : i32 to vector<16xi32>
      %xor3A = arith.xori %iota3A, %broadcast_in_dim3A_54 : vector<16xi32>
      %shift_right_logical3A = arith.shrui %broadcast_in_dim3A_5, %xor3A : vector<16xi32>
      %convert_element_type3A = arith.sitofp %shift_right_logical3A : vector<16xi32> to vector<16xf32>
      %swap3A = arith.constant 0 : i32
      %swap3A_55 = arith.index_cast %swap3A : i32 to index
      %swap3A_56 = arith.index_cast %mul3A_39 : i32 to index
      %swap3A_57 = tpu.vector_load %arg5[%swap3A_55, %swap3A_56] {strides = array<i32>} : memref<16x2048xf32, #tpu.memory_space<vmem>>, vector<1x16xf32>,
      %swap3A_58 = vector.shape_cast %swap3A_57 : vector<1x16xf32> to vector<16xf32>
      %swap3A_59 = vector.shape_cast %convert_element_type3A : vector<16xf32> to vector<1x16xf32>
      tpu.vector_store %arg5[%swap3A_55, %swap3A_56], %swap3A_59 {strides = array<i32>} : memref<16x2048xf32, #tpu.memory_space<vmem>>, vector<1x16xf32>,
      %slice3A_60 = vector.extract_strided_slice %get3A_21 {offsets = [1], sizes = [1], strides = [1]} : vector<16xi32> to vector<1xi32>
      %squeeze3A_61 = vector.extract %slice3A_60[0] : i32 from vector<1xi32>
      %jit3A_62 = arith.constant 16 : i32
      %div3A_63 = arith.divsi %squeeze3A_61, %jit3A_62 : i32
      %sign3A_64 = arith.constant 0 : i32
      %sign3A_65 = arith.cmpi sgt, %squeeze3A_61, %sign3A_64 : i32
      %sign3A_66 = arith.extui %sign3A_65 : i1 to i32
      %sign3A_67 = arith.constant 0 : i32
      %sign3A_68 = arith.cmpi slt, %squeeze3A_61, %sign3A_67 : i32
      %sign3A_69 = arith.extui %sign3A_68 : i1 to i32
      %sign3A_70 = arith.subi %sign3A_66, %sign3A_69 : i32
      %sign3A_71 = arith.constant 0 : i32
      %sign3A_72 = arith.cmpi sgt, %jit3A_62, %sign3A_71 : i32
      %sign3A_73 = arith.extui %sign3A_72 : i1 to i32
      %sign3A_74 = arith.constant 0 : i32
      %sign3A_75 = arith.cmpi slt, %jit3A_62, %sign3A_74 : i32
      %sign3A_76 = arith.extui %sign3A_75 : i1 to i32
      %sign3A_77 = arith.subi %sign3A_73, %sign3A_76 : i32
      %ne3A_78 = arith.cmpi ne, %sign3A_70, %sign3A_77 : i32
      %rem3A_79 = arith.remsi %squeeze3A_61, %jit3A_62 : i32
      %ne3A_80 = arith.constant 0 : i32
      %ne3A_81 = arith.cmpi ne, %rem3A_79, %ne3A_80 : i32
      %and3A_82 = arith.andi %ne3A_78, %ne3A_81 : i1
      %sub3A_83 = arith.constant 1 : i32
      %sub3A_84 = arith.subi %div3A_63, %sub3A_83 : i32
      %select_n3A_85 = arith.select %and3A_82, %sub3A_84, %div3A_63 : i32
      %mul3A_86 = arith.constant 16 : i32
      %mul3A_87 = arith.muli %select_n3A_85, %mul3A_86 : i32
      %jit3A_88 = arith.constant 16 : i32
      %eq3A_89 = arith.constant 0 : i32
      %eq3A_90 = arith.cmpi eq, %jit3A_88, %eq3A_89 : i32
      %jit3A_91 = arith.constant 1 : i32
      %select_n3A_92 = arith.select %eq3A_90, %jit3A_91, %jit3A_88 : i32
      %rem3A_93 = arith.remsi %squeeze3A_61, %select_n3A_92 : i32
      %ne3A_94 = arith.constant 0 : i32
      %ne3A_95 = arith.cmpi ne, %rem3A_93, %ne3A_94 : i32
      %lt3A_96 = arith.constant 0 : i32
      %lt3A_97 = arith.cmpi slt, %rem3A_93, %lt3A_96 : i32
      %lt3A_98 = arith.constant 0 : i32
      %lt3A_99 = arith.cmpi slt, %select_n3A_92, %lt3A_98 : i32
      %ne3A_100 = arith.xori %lt3A_97, %lt3A_99 : i1
      %and3A_101 = arith.andi %ne3A_100, %ne3A_95 : i1
      %add3A_102 = arith.addi %rem3A_93, %select_n3A_92 : i32
      %select_n3A_103 = arith.select %and3A_101, %add3A_102, %rem3A_93 : i32
      %broadcast_in_dim3A_104 = vector.broadcast %select_n3A_103 : i32 to vector<16xi32>
      %xor3A_105 = arith.xori %iota3A, %broadcast_in_dim3A_104 : vector<16xi32>
      %shift_right_logical3A_106 = arith.shrui %broadcast_in_dim3A_5, %xor3A_105 : vector<16xi32>
      %convert_element_type3A_107 = arith.sitofp %shift_right_logical3A_106 : vector<16xi32> to vector<16xf32>
      %swap3A_108 = arith.constant 1 : i32
      %swap3A_109 = arith.index_cast %swap3A_108 : i32 to index
      %swap3A_110 = arith.index_cast %mul3A_87 : i32 to index
      %swap3A_111 = tpu.vector_load %arg5[%swap3A_109, %swap3A_110] {strides = array<i32>} : memref<16x2048xf32, #tpu.memory_space<vmem>>, vector<1x16xf32>,
      %swap3A_112 = vector.shape_cast %swap3A_111 : vector<1x16xf32> to vector<16xf32>
      %swap3A_113 = vector.shape_cast %convert_element_type3A_107 : vector<16xf32> to vector<1x16xf32>
      tpu.vector_store %arg5[%swap3A_109, %swap3A_110], %swap3A_113 {strides = array<i32>} : memref<16x2048xf32, #tpu.memory_space<vmem>>, vector<1x16xf32>,
      %slice3A_114 = vector.extract_strided_slice %get3A_21 {offsets = [2], sizes = [1], strides = [1]} : vector<16xi32> to vector<1xi32>
      %squeeze3A_115 = vector.extract %slice3A_114[0] : i32 from vector<1xi32>
      %jit3A_116 = arith.constant 16 : i32
      %div3A_117 = arith.divsi %squeeze3A_115, %jit3A_116 : i32
      %sign3A_118 = arith.constant 0 : i32
      %sign3A_119 = arith.cmpi sgt, %squeeze3A_115, %sign3A_118 : i32
      %sign3A_120 = arith.extui %sign3A_119 : i1 to i32
      %sign3A_121 = arith.constant 0 : i32
      %sign3A_122 = arith.cmpi slt, %squeeze3A_115, %sign3A_121 : i32
      %sign3A_123 = arith.extui %sign3A_122 : i1 to i32
      %sign3A_124 = arith.subi %sign3A_120, %sign3A_123 : i32
      %sign3A_125 = arith.constant 0 : i32
      %sign3A_126 = arith.cmpi sgt, %jit3A_116, %sign3A_125 : i32
      %sign3A_127 = arith.extui %sign3A_126 : i1 to i32
      %sign3A_128 = arith.constant 0 : i32
      %sign3A_129 = arith.cmpi slt, %jit3A_116, %sign3A_128 : i32
      %sign3A_130 = arith.extui %sign3A_129 : i1 to i32
      %sign3A_131 = arith.subi %sign3A_127, %sign3A_130 : i32
      %ne3A_132 = arith.cmpi ne, %sign3A_124, %sign3A_131 : i32
      %rem3A_133 = arith.remsi %squeeze3A_115, %jit3A_116 : i32
      %ne3A_134 = arith.constant 0 : i32
      %ne3A_135 = arith.cmpi ne, %rem3A_133, %ne3A_134 : i32
      %and3A_136 = arith.andi %ne3A_132, %ne3A_135 : i1
      %sub3A_137 = arith.constant 1 : i32
      %sub3A_138 = arith.subi %div3A_117, %sub3A_137 : i32
      %select_n3A_139 = arith.select %and3A_136, %sub3A_138, %div3A_117 : i32
      %mul3A_140 = arith.constant 16 : i32
      %mul3A_141 = arith.muli %select_n3A_139, %mul3A_140 : i32
      %jit3A_142 = arith.constant 16 : i32
      %eq3A_143 = arith.constant 0 : i32
      %eq3A_144 = arith.cmpi eq, %jit3A_142, %eq3A_143 : i32
      %jit3A_145 = arith.constant 1 : i32
      %select_n3A_146 = arith.select %eq3A_144, %jit3A_145, %jit3A_142 : i32
      %rem3A_147 = arith.remsi %squeeze3A_115, %select_n3A_146 : i32
      %ne3A_148 = arith.constant 0 : i32
      %ne3A_149 = arith.cmpi ne, %rem3A_147, %ne3A_148 : i32
      %lt3A_150 = arith.constant 0 : i32
      %lt3A_151 = arith.cmpi slt, %rem3A_147, %lt3A_150 : i32
      %lt3A_152 = arith.constant 0 : i32
      %lt3A_153 = arith.cmpi slt, %select_n3A_146, %lt3A_152 : i32
      %ne3A_154 = arith.xori %lt3A_151, %lt3A_153 : i1
      %and3A_155 = arith.andi %ne3A_154, %ne3A_149 : i1
      %add3A_156 = arith.addi %rem3A_147, %select_n3A_146 : i32
      %select_n3A_157 = arith.select %and3A_155, %add3A_156, %rem3A_147 : i32
      %broadcast_in_dim3A_158 = vector.broadcast %select_n3A_157 : i32 to vector<16xi32>
      %xor3A_159 = arith.xori %iota3A, %broadcast_in_dim3A_158 : vector<16xi32>
      %shift_right_logical3A_160 = arith.shrui %broadcast_in_dim3A_5, %xor3A_159 : vector<16xi32>
      %convert_element_type3A_161 = arith.sitofp %shift_right_logical3A_160 : vector<16xi32> to vector<16xf32>
      %swap3A_162 = arith.constant 2 : i32
      %swap3A_163 = arith.index_cast %swap3A_162 : i32 to index
      %swap3A_164 = arith.index_cast %mul3A_141 : i32 to index
      %swap3A_165 = tpu.vector_load %arg5[%swap3A_163, %swap3A_164] {strides = array<i32>} : memref<16x2048xf32, #tpu.memory_space<vmem>>, vector<1x16xf32>,
      %swap3A_166 = vector.shape_cast %swap3A_165 : vector<1x16xf32> to vector<16xf32>
      %swap3A_167 = vector.shape_cast %convert_element_type3A_161 : vector<16xf32> to vector<1x16xf32>
      tpu.vector_store %arg5[%swap3A_163, %swap3A_164], %swap3A_167 {strides = array<i32>} : memref<16x2048xf32, #tpu.memory_space<vmem>>, vector<1x16xf32>,
      %slice3A_168 = vector.extract_strided_slice %get3A_21 {offsets = [3], sizes = [1], strides = [1]} : vector<16xi32> to vector<1xi32>
      %squeeze3A_169 = vector.extract %slice3A_168[0] : i32 from vector<1xi32>
      %jit3A_170 = arith.constant 16 : i32
      %div3A_171 = arith.divsi %squeeze3A_169, %jit3A_170 : i32
      %sign3A_172 = arith.constant 0 : i32
      %sign3A_173 = arith.cmpi sgt, %squeeze3A_169, %sign3A_172 : i32
      %sign3A_174 = arith.extui %sign3A_173 : i1 to i32
      %sign3A_175 = arith.constant 0 : i32
      %sign3A_176 = arith.cmpi slt, %squeeze3A_169, %sign3A_175 : i32
      %sign3A_177 = arith.extui %sign3A_176 : i1 to i32
      %sign3A_178 = arith.subi %sign3A_174, %sign3A_177 : i32
      %sign3A_179 = arith.constant 0 : i32
      %sign3A_180 = arith.cmpi sgt, %jit3A_170, %sign3A_179 : i32
      %sign3A_181 = arith.extui %sign3A_180 : i1 to i32
      %sign3A_182 = arith.constant 0 : i32
      %sign3A_183 = arith.cmpi slt, %jit3A_170, %sign3A_182 : i32
      %sign3A_184 = arith.extui %sign3A_183 : i1 to i32
      %sign3A_185 = arith.subi %sign3A_181, %sign3A_184 : i32
      %ne3A_186 = arith.cmpi ne, %sign3A_178, %sign3A_185 : i32
      %rem3A_187 = arith.remsi %squeeze3A_169, %jit3A_170 : i32
      %ne3A_188 = arith.constant 0 : i32
      %ne3A_189 = arith.cmpi ne, %rem3A_187, %ne3A_188 : i32
      %and3A_190 = arith.andi %ne3A_186, %ne3A_189 : i1
      %sub3A_191 = arith.constant 1 : i32
      %sub3A_192 = arith.subi %div3A_171, %sub3A_191 : i32
      %select_n3A_193 = arith.select %and3A_190, %sub3A_192, %div3A_171 : i32
      %mul3A_194 = arith.constant 16 : i32
      %mul3A_195 = arith.muli %select_n3A_193, %mul3A_194 : i32
      %jit3A_196 = arith.constant 16 : i32
      %eq3A_197 = arith.constant 0 : i32
      %eq3A_198 = arith.cmpi eq, %jit3A_196, %eq3A_197 : i32
      %jit3A_199 = arith.constant 1 : i32
      %select_n3A_200 = arith.select %eq3A_198, %jit3A_199, %jit3A_196 : i32
      %rem3A_201 = arith.remsi %squeeze3A_169, %select_n3A_200 : i32
      %ne3A_202 = arith.constant 0 : i32
      %ne3A_203 = arith.cmpi ne, %rem3A_201, %ne3A_202 : i32
      %lt3A_204 = arith.constant 0 : i32
      %lt3A_205 = arith.cmpi slt, %rem3A_201, %lt3A_204 : i32
      %lt3A_206 = arith.constant 0 : i32
      %lt3A_207 = arith.cmpi slt, %select_n3A_200, %lt3A_206 : i32
      %ne3A_208 = arith.xori %lt3A_205, %lt3A_207 : i1
      %and3A_209 = arith.andi %ne3A_208, %ne3A_203 : i1
      %add3A_210 = arith.addi %rem3A_201, %select_n3A_200 : i32
      %select_n3A_211 = arith.select %and3A_209, %add3A_210, %rem3A_201 : i32
      %broadcast_in_dim3A_212 = vector.broadcast %select_n3A_211 : i32 to vector<16xi32>
      %xor3A_213 = arith.xori %iota3A, %broadcast_in_dim3A_212 : vector<16xi32>
      %shift_right_logical3A_214 = arith.shrui %broadcast_in_dim3A_5, %xor3A_213 : vector<16xi32>
      %convert_element_type3A_215 = arith.sitofp %shift_right_logical3A_214 : vector<16xi32> to vector<16xf32>
      %swap3A_216 = arith.constant 3 : i32
      %swap3A_217 = arith.index_cast %swap3A_216 : i32 to index
      %swap3A_218 = arith.index_cast %mul3A_195 : i32 to index
      %swap3A_219 = tpu.vector_load %arg5[%swap3A_217, %swap3A_218] {strides = array<i32>} : memref<16x2048xf32, #tpu.memory_space<vmem>>, vector<1x16xf32>,
      %swap3A_220 = vector.shape_cast %swap3A_219 : vector<1x16xf32> to vector<16xf32>
      %swap3A_221 = vector.shape_cast %convert_element_type3A_215 : vector<16xf32> to vector<1x16xf32>
      tpu.vector_store %arg5[%swap3A_217, %swap3A_218], %swap3A_221 {strides = array<i32>} : memref<16x2048xf32, #tpu.memory_space<vmem>>, vector<1x16xf32>,
      %slice3A_222 = vector.extract_strided_slice %get3A_21 {offsets = [4], sizes = [1], strides = [1]} : vector<16xi32> to vector<1xi32>
      %squeeze3A_223 = vector.extract %slice3A_222[0] : i32 from vector<1xi32>
      %jit3A_224 = arith.constant 16 : i32
      %div3A_225 = arith.divsi %squeeze3A_223, %jit3A_224 : i32
      %sign3A_226 = arith.constant 0 : i32
      %sign3A_227 = arith.cmpi sgt, %squeeze3A_223, %sign3A_226 : i32
      %sign3A_228 = arith.extui %sign3A_227 : i1 to i32
      %sign3A_229 = arith.constant 0 : i32
      %sign3A_230 = arith.cmpi slt, %squeeze3A_223, %sign3A_229 : i32
      %sign3A_231 = arith.extui %sign3A_230 : i1 to i32
      %sign3A_232 = arith.subi %sign3A_228, %sign3A_231 : i32
      %sign3A_233 = arith.constant 0 : i32
      %sign3A_234 = arith.cmpi sgt, %jit3A_224, %sign3A_233 : i32
      %sign3A_235 = arith.extui %sign3A_234 : i1 to i32
      %sign3A_236 = arith.constant 0 : i32
      %sign3A_237 = arith.cmpi slt, %jit3A_224, %sign3A_236 : i32
      %sign3A_238 = arith.extui %sign3A_237 : i1 to i32
      %sign3A_239 = arith.subi %sign3A_235, %sign3A_238 : i32
      %ne3A_240 = arith.cmpi ne, %sign3A_232, %sign3A_239 : i32
      %rem3A_241 = arith.remsi %squeeze3A_223, %jit3A_224 : i32
      %ne3A_242 = arith.constant 0 : i32
      %ne3A_243 = arith.cmpi ne, %rem3A_241, %ne3A_242 : i32
      %and3A_244 = arith.andi %ne3A_240, %ne3A_243 : i1
      %sub3A_245 = arith.constant 1 : i32
      %sub3A_246 = arith.subi %div3A_225, %sub3A_245 : i32
      %select_n3A_247 = arith.select %and3A_244, %sub3A_246, %div3A_225 : i32
      %mul3A_248 = arith.constant 16 : i32
      %mul3A_249 = arith.muli %select_n3A_247, %mul3A_248 : i32
      %jit3A_250 = arith.constant 16 : i32
      %eq3A_251 = arith.constant 0 : i32
      %eq3A_252 = arith.cmpi eq, %jit3A_250, %eq3A_251 : i32
      %jit3A_253 = arith.constant 1 : i32
      %select_n3A_254 = arith.select %eq3A_252, %jit3A_253, %jit3A_250 : i32
      %rem3A_255 = arith.remsi %squeeze3A_223, %select_n3A_254 : i32
      %ne3A_256 = arith.constant 0 : i32
      %ne3A_257 = arith.cmpi ne, %rem3A_255, %ne3A_256 : i32
      %lt3A_258 = arith.constant 0 : i32
      %lt3A_259 = arith.cmpi slt, %rem3A_255, %lt3A_258 : i32
      %lt3A_260 = arith.constant 0 : i32
      %lt3A_261 = arith.cmpi slt, %select_n3A_254, %lt3A_260 : i32
      %ne3A_262 = arith.xori %lt3A_259, %lt3A_261 : i1
      %and3A_263 = arith.andi %ne3A_262, %ne3A_257 : i1
      %add3A_264 = arith.addi %rem3A_255, %select_n3A_254 : i32
      %select_n3A_265 = arith.select %and3A_263, %add3A_264, %rem3A_255 : i32
      %broadcast_in_dim3A_266 = vector.broadcast %select_n3A_265 : i32 to vector<16xi32>
      %xor3A_267 = arith.xori %iota3A, %broadcast_in_dim3A_266 : vector<16xi32>
      %shift_right_logical3A_268 = arith.shrui %broadcast_in_dim3A_5, %xor3A_267 : vector<16xi32>
      %convert_element_type3A_269 = arith.sitofp %shift_right_logical3A_268 : vector<16xi32> to vector<16xf32>
      %swap3A_270 = arith.constant 4 : i32
      %swap3A_271 = arith.index_cast %swap3A_270 : i32 to index
      %swap3A_272 = arith.index_cast %mul3A_249 : i32 to index
      %swap3A_273 = tpu.vector_load %arg5[%swap3A_271, %swap3A_272] {strides = array<i32>} : memref<16x2048xf32, #tpu.memory_space<vmem>>, vector<1x16xf32>,
      %swap3A_274 = vector.shape_cast %swap3A_273 : vector<1x16xf32> to vector<16xf32>
      %swap3A_275 = vector.shape_cast %convert_element_type3A_269 : vector<16xf32> to vector<1x16xf32>
      tpu.vector_store %arg5[%swap3A_271, %swap3A_272], %swap3A_275 {strides = array<i32>} : memref<16x2048xf32, #tpu.memory_space<vmem>>, vector<1x16xf32>,
      %slice3A_276 = vector.extract_strided_slice %get3A_21 {offsets = [5], sizes = [1], strides = [1]} : vector<16xi32> to vector<1xi32>
      %squeeze3A_277 = vector.extract %slice3A_276[0] : i32 from vector<1xi32>
      %jit3A_278 = arith.constant 16 : i32
      %div3A_279 = arith.divsi %squeeze3A_277, %jit3A_278 : i32
      %sign3A_280 = arith.constant 0 : i32
      %sign3A_281 = arith.cmpi sgt, %squeeze3A_277, %sign3A_280 : i32
      %sign3A_282 = arith.extui %sign3A_281 : i1 to i32
      %sign3A_283 = arith.constant 0 : i32
      %sign3A_284 = arith.cmpi slt, %squeeze3A_277, %sign3A_283 : i32
      %sign3A_285 = arith.extui %sign3A_284 : i1 to i32
      %sign3A_286 = arith.subi %sign3A_282, %sign3A_285 : i32
      %sign3A_287 = arith.constant 0 : i32
      %sign3A_288 = arith.cmpi sgt, %jit3A_278, %sign3A_287 : i32
      %sign3A_289 = arith.extui %sign3A_288 : i1 to i32
      %sign3A_290 = arith.constant 0 : i32
      %sign3A_291 = arith.cmpi slt, %jit3A_278, %sign3A_290 : i32
      %sign3A_292 = arith.extui %sign3A_291 : i1 to i32
      %sign3A_293 = arith.subi %sign3A_289, %sign3A_292 : i32
      %ne3A_294 = arith.cmpi ne, %sign3A_286, %sign3A_293 : i32
      %rem3A_295 = arith.remsi %squeeze3A_277, %jit3A_278 : i32
      %ne3A_296 = arith.constant 0 : i32
      %ne3A_297 = arith.cmpi ne, %rem3A_295, %ne3A_296 : i32
      %and3A_298 = arith.andi %ne3A_294, %ne3A_297 : i1
      %sub3A_299 = arith.constant 1 : i32
      %sub3A_300 = arith.subi %div3A_279, %sub3A_299 : i32
      %select_n3A_301 = arith.select %and3A_298, %sub3A_300, %div3A_279 : i32
      %mul3A_302 = arith.constant 16 : i32
      %mul3A_303 = arith.muli %select_n3A_301, %mul3A_302 : i32
      %jit3A_304 = arith.constant 16 : i32
      %eq3A_305 = arith.constant 0 : i32
      %eq3A_306 = arith.cmpi eq, %jit3A_304, %eq3A_305 : i32
      %jit3A_307 = arith.constant 1 : i32
      %select_n3A_308 = arith.select %eq3A_306, %jit3A_307, %jit3A_304 : i32
      %rem3A_309 = arith.remsi %squeeze3A_277, %select_n3A_308 : i32
      %ne3A_310 = arith.constant 0 : i32
      %ne3A_311 = arith.cmpi ne, %rem3A_309, %ne3A_310 : i32
      %lt3A_312 = arith.constant 0 : i32
      %lt3A_313 = arith.cmpi slt, %rem3A_309, %lt3A_312 : i32
      %lt3A_314 = arith.constant 0 : i32
      %lt3A_315 = arith.cmpi slt, %select_n3A_308, %lt3A_314 : i32
      %ne3A_316 = arith.xori %lt3A_313, %lt3A_315 : i1
      %and3A_317 = arith.andi %ne3A_316, %ne3A_311 : i1
      %add3A_318 = arith.addi %rem3A_309, %select_n3A_308 : i32
      %select_n3A_319 = arith.select %and3A_317, %add3A_318, %rem3A_309 : i32
      %broadcast_in_dim3A_320 = vector.broadcast %select_n3A_319 : i32 to vector<16xi32>
      %xor3A_321 = arith.xori %iota3A, %broadcast_in_dim3A_320 : vector<16xi32>
      %shift_right_logical3A_322 = arith.shrui %broadcast_in_dim3A_5, %xor3A_321 : vector<16xi32>
      %convert_element_type3A_323 = arith.sitofp %shift_right_logical3A_322 : vector<16xi32> to vector<16xf32>
      %swap3A_324 = arith.constant 5 : i32
      %swap3A_325 = arith.index_cast %swap3A_324 : i32 to index
      %swap3A_326 = arith.index_cast %mul3A_303 : i32 to index
      %swap3A_327 = tpu.vector_load %arg5[%swap3A_325, %swap3A_326] {strides = array<i32>} : memref<16x2048xf32, #tpu.memory_space<vmem>>, vector<1x16xf32>,
      %swap3A_328 = vector.shape_cast %swap3A_327 : vector<1x16xf32> to vector<16xf32>
      %swap3A_329 = vector.shape_cast %convert_element_type3A_323 : vector<16xf32> to vector<1x16xf32>
      tpu.vector_store %arg5[%swap3A_325, %swap3A_326], %swap3A_329 {strides = array<i32>} : memref<16x2048xf32, #tpu.memory_space<vmem>>, vector<1x16xf32>,
      %slice3A_330 = vector.extract_strided_slice %get3A_21 {offsets = [6], sizes = [1], strides = [1]} : vector<16xi32> to vector<1xi32>
      %squeeze3A_331 = vector.extract %slice3A_330[0] : i32 from vector<1xi32>
      %jit3A_332 = arith.constant 16 : i32
      %div3A_333 = arith.divsi %squeeze3A_331, %jit3A_332 : i32
      %sign3A_334 = arith.constant 0 : i32
      %sign3A_335 = arith.cmpi sgt, %squeeze3A_331, %sign3A_334 : i32
      %sign3A_336 = arith.extui %sign3A_335 : i1 to i32
      %sign3A_337 = arith.constant 0 : i32
      %sign3A_338 = arith.cmpi slt, %squeeze3A_331, %sign3A_337 : i32
      %sign3A_339 = arith.extui %sign3A_338 : i1 to i32
      %sign3A_340 = arith.subi %sign3A_336, %sign3A_339 : i32
      %sign3A_341 = arith.constant 0 : i32
      %sign3A_342 = arith.cmpi sgt, %jit3A_332, %sign3A_341 : i32
      %sign3A_343 = arith.extui %sign3A_342 : i1 to i32
      %sign3A_344 = arith.constant 0 : i32
      %sign3A_345 = arith.cmpi slt, %jit3A_332, %sign3A_344 : i32
      %sign3A_346 = arith.extui %sign3A_345 : i1 to i32
      %sign3A_347 = arith.subi %sign3A_343, %sign3A_346 : i32
      %ne3A_348 = arith.cmpi ne, %sign3A_340, %sign3A_347 : i32
      %rem3A_349 = arith.remsi %squeeze3A_331, %jit3A_332 : i32
      %ne3A_350 = arith.constant 0 : i32
      %ne3A_351 = arith.cmpi ne, %rem3A_349, %ne3A_350 : i32
      %and3A_352 = arith.andi %ne3A_348, %ne3A_351 : i1
      %sub3A_353 = arith.constant 1 : i32
      %sub3A_354 = arith.subi %div3A_333, %sub3A_353 : i32
      %select_n3A_355 = arith.select %and3A_352, %sub3A_354, %div3A_333 : i32
      %mul3A_356 = arith.constant 16 : i32
      %mul3A_357 = arith.muli %select_n3A_355, %mul3A_356 : i32
      %jit3A_358 = arith.constant 16 : i32
      %eq3A_359 = arith.constant 0 : i32
      %eq3A_360 = arith.cmpi eq, %jit3A_358, %eq3A_359 : i32
      %jit3A_361 = arith.constant 1 : i32
      %select_n3A_362 = arith.select %eq3A_360, %jit3A_361, %jit3A_358 : i32
      %rem3A_363 = arith.remsi %squeeze3A_331, %select_n3A_362 : i32
      %ne3A_364 = arith.constant 0 : i32
      %ne3A_365 = arith.cmpi ne, %rem3A_363, %ne3A_364 : i32
      %lt3A_366 = arith.constant 0 : i32
      %lt3A_367 = arith.cmpi slt, %rem3A_363, %lt3A_366 : i32
      %lt3A_368 = arith.constant 0 : i32
      %lt3A_369 = arith.cmpi slt, %select_n3A_362, %lt3A_368 : i32
      %ne3A_370 = arith.xori %lt3A_367, %lt3A_369 : i1
      %and3A_371 = arith.andi %ne3A_370, %ne3A_365 : i1
      %add3A_372 = arith.addi %rem3A_363, %select_n3A_362 : i32
      %select_n3A_373 = arith.select %and3A_371, %add3A_372, %rem3A_363 : i32
      %broadcast_in_dim3A_374 = vector.broadcast %select_n3A_373 : i32 to vector<16xi32>
      %xor3A_375 = arith.xori %iota3A, %broadcast_in_dim3A_374 : vector<16xi32>
      %shift_right_logical3A_376 = arith.shrui %broadcast_in_dim3A_5, %xor3A_375 : vector<16xi32>
      %convert_element_type3A_377 = arith.sitofp %shift_right_logical3A_376 : vector<16xi32> to vector<16xf32>
      %swap3A_378 = arith.constant 6 : i32
      %swap3A_379 = arith.index_cast %swap3A_378 : i32 to index
      %swap3A_380 = arith.index_cast %mul3A_357 : i32 to index
      %swap3A_381 = tpu.vector_load %arg5[%swap3A_379, %swap3A_380] {strides = array<i32>} : memref<16x2048xf32, #tpu.memory_space<vmem>>, vector<1x16xf32>,
      %swap3A_382 = vector.shape_cast %swap3A_381 : vector<1x16xf32> to vector<16xf32>
      %swap3A_383 = vector.shape_cast %convert_element_type3A_377 : vector<16xf32> to vector<1x16xf32>
      tpu.vector_store %arg5[%swap3A_379, %swap3A_380], %swap3A_383 {strides = array<i32>} : memref<16x2048xf32, #tpu.memory_space<vmem>>, vector<1x16xf32>,
      %slice3A_384 = vector.extract_strided_slice %get3A_21 {offsets = [7], sizes = [1], strides = [1]} : vector<16xi32> to vector<1xi32>
      %squeeze3A_385 = vector.extract %slice3A_384[0] : i32 from vector<1xi32>
      %jit3A_386 = arith.constant 16 : i32
      %div3A_387 = arith.divsi %squeeze3A_385, %jit3A_386 : i32
      %sign3A_388 = arith.constant 0 : i32
      %sign3A_389 = arith.cmpi sgt, %squeeze3A_385, %sign3A_388 : i32
      %sign3A_390 = arith.extui %sign3A_389 : i1 to i32
      %sign3A_391 = arith.constant 0 : i32
      %sign3A_392 = arith.cmpi slt, %squeeze3A_385, %sign3A_391 : i32
      %sign3A_393 = arith.extui %sign3A_392 : i1 to i32
      %sign3A_394 = arith.subi %sign3A_390, %sign3A_393 : i32
      %sign3A_395 = arith.constant 0 : i32
      %sign3A_396 = arith.cmpi sgt, %jit3A_386, %sign3A_395 : i32
      %sign3A_397 = arith.extui %sign3A_396 : i1 to i32
      %sign3A_398 = arith.constant 0 : i32
      %sign3A_399 = arith.cmpi slt, %jit3A_386, %sign3A_398 : i32
      %sign3A_400 = arith.extui %sign3A_399 : i1 to i32
      %sign3A_401 = arith.subi %sign3A_397, %sign3A_400 : i32
      %ne3A_402 = arith.cmpi ne, %sign3A_394, %sign3A_401 : i32
      %rem3A_403 = arith.remsi %squeeze3A_385, %jit3A_386 : i32
      %ne3A_404 = arith.constant 0 : i32
      %ne3A_405 = arith.cmpi ne, %rem3A_403, %ne3A_404 : i32
      %and3A_406 = arith.andi %ne3A_402, %ne3A_405 : i1
      %sub3A_407 = arith.constant 1 : i32
      %sub3A_408 = arith.subi %div3A_387, %sub3A_407 : i32
      %select_n3A_409 = arith.select %and3A_406, %sub3A_408, %div3A_387 : i32
      %mul3A_410 = arith.constant 16 : i32
      %mul3A_411 = arith.muli %select_n3A_409, %mul3A_410 : i32
      %jit3A_412 = arith.constant 16 : i32
      %eq3A_413 = arith.constant 0 : i32
      %eq3A_414 = arith.cmpi eq, %jit3A_412, %eq3A_413 : i32
      %jit3A_415 = arith.constant 1 : i32
      %select_n3A_416 = arith.select %eq3A_414, %jit3A_415, %jit3A_412 : i32
      %rem3A_417 = arith.remsi %squeeze3A_385, %select_n3A_416 : i32
      %ne3A_418 = arith.constant 0 : i32
      %ne3A_419 = arith.cmpi ne, %rem3A_417, %ne3A_418 : i32
      %lt3A_420 = arith.constant 0 : i32
      %lt3A_421 = arith.cmpi slt, %rem3A_417, %lt3A_420 : i32
      %lt3A_422 = arith.constant 0 : i32
      %lt3A_423 = arith.cmpi slt, %select_n3A_416, %lt3A_422 : i32
      %ne3A_424 = arith.xori %lt3A_421, %lt3A_423 : i1
      %and3A_425 = arith.andi %ne3A_424, %ne3A_419 : i1
      %add3A_426 = arith.addi %rem3A_417, %select_n3A_416 : i32
      %select_n3A_427 = arith.select %and3A_425, %add3A_426, %rem3A_417 : i32
      %broadcast_in_dim3A_428 = vector.broadcast %select_n3A_427 : i32 to vector<16xi32>
      %xor3A_429 = arith.xori %iota3A, %broadcast_in_dim3A_428 : vector<16xi32>
      %shift_right_logical3A_430 = arith.shrui %broadcast_in_dim3A_5, %xor3A_429 : vector<16xi32>
      %convert_element_type3A_431 = arith.sitofp %shift_right_logical3A_430 : vector<16xi32> to vector<16xf32>
      %swap3A_432 = arith.constant 7 : i32
      %swap3A_433 = arith.index_cast %swap3A_432 : i32 to index
      %swap3A_434 = arith.index_cast %mul3A_411 : i32 to index
      %swap3A_435 = tpu.vector_load %arg5[%swap3A_433, %swap3A_434] {strides = array<i32>} : memref<16x2048xf32, #tpu.memory_space<vmem>>, vector<1x16xf32>,
      %swap3A_436 = vector.shape_cast %swap3A_435 : vector<1x16xf32> to vector<16xf32>
      %swap3A_437 = vector.shape_cast %convert_element_type3A_431 : vector<16xf32> to vector<1x16xf32>
      tpu.vector_store %arg5[%swap3A_433, %swap3A_434], %swap3A_437 {strides = array<i32>} : memref<16x2048xf32, #tpu.memory_space<vmem>>, vector<1x16xf32>,
      %slice3A_438 = vector.extract_strided_slice %get3A_21 {offsets = [8], sizes = [1], strides = [1]} : vector<16xi32> to vector<1xi32>
      %squeeze3A_439 = vector.extract %slice3A_438[0] : i32 from vector<1xi32>
      %jit3A_440 = arith.constant 16 : i32
      %div3A_441 = arith.divsi %squeeze3A_439, %jit3A_440 : i32
      %sign3A_442 = arith.constant 0 : i32
      %sign3A_443 = arith.cmpi sgt, %squeeze3A_439, %sign3A_442 : i32
      %sign3A_444 = arith.extui %sign3A_443 : i1 to i32
      %sign3A_445 = arith.constant 0 : i32
      %sign3A_446 = arith.cmpi slt, %squeeze3A_439, %sign3A_445 : i32
      %sign3A_447 = arith.extui %sign3A_446 : i1 to i32
      %sign3A_448 = arith.subi %sign3A_444, %sign3A_447 : i32
      %sign3A_449 = arith.constant 0 : i32
      %sign3A_450 = arith.cmpi sgt, %jit3A_440, %sign3A_449 : i32
      %sign3A_451 = arith.extui %sign3A_450 : i1 to i32
      %sign3A_452 = arith.constant 0 : i32
      %sign3A_453 = arith.cmpi slt, %jit3A_440, %sign3A_452 : i32
      %sign3A_454 = arith.extui %sign3A_453 : i1 to i32
      %sign3A_455 = arith.subi %sign3A_451, %sign3A_454 : i32
      %ne3A_456 = arith.cmpi ne, %sign3A_448, %sign3A_455 : i32
      %rem3A_457 = arith.remsi %squeeze3A_439, %jit3A_440 : i32
      %ne3A_458 = arith.constant 0 : i32
      %ne3A_459 = arith.cmpi ne, %rem3A_457, %ne3A_458 : i32
      %and3A_460 = arith.andi %ne3A_456, %ne3A_459 : i1
      %sub3A_461 = arith.constant 1 : i32
      %sub3A_462 = arith.subi %div3A_441, %sub3A_461 : i32
      %select_n3A_463 = arith.select %and3A_460, %sub3A_462, %div3A_441 : i32
      %mul3A_464 = arith.constant 16 : i32
      %mul3A_465 = arith.muli %select_n3A_463, %mul3A_464 : i32
      %jit3A_466 = arith.constant 16 : i32
      %eq3A_467 = arith.constant 0 : i32
      %eq3A_468 = arith.cmpi eq, %jit3A_466, %eq3A_467 : i32
      %jit3A_469 = arith.constant 1 : i32
      %select_n3A_470 = arith.select %eq3A_468, %jit3A_469, %jit3A_466 : i32
      %rem3A_471 = arith.remsi %squeeze3A_439, %select_n3A_470 : i32
      %ne3A_472 = arith.constant 0 : i32
      %ne3A_473 = arith.cmpi ne, %rem3A_471, %ne3A_472 : i32
      %lt3A_474 = arith.constant 0 : i32
      %lt3A_475 = arith.cmpi slt, %rem3A_471, %lt3A_474 : i32
      %lt3A_476 = arith.constant 0 : i32
      %lt3A_477 = arith.cmpi slt, %select_n3A_470, %lt3A_476 : i32
      %ne3A_478 = arith.xori %lt3A_475, %lt3A_477 : i1
      %and3A_479 = arith.andi %ne3A_478, %ne3A_473 : i1
      %add3A_480 = arith.addi %rem3A_471, %select_n3A_470 : i32
      %select_n3A_481 = arith.select %and3A_479, %add3A_480, %rem3A_471 : i32
      %broadcast_in_dim3A_482 = vector.broadcast %select_n3A_481 : i32 to vector<16xi32>
      %xor3A_483 = arith.xori %iota3A, %broadcast_in_dim3A_482 : vector<16xi32>
      %shift_right_logical3A_484 = arith.shrui %broadcast_in_dim3A_5, %xor3A_483 : vector<16xi32>
      %convert_element_type3A_485 = arith.sitofp %shift_right_logical3A_484 : vector<16xi32> to vector<16xf32>
      %swap3A_486 = arith.constant 8 : i32
      %swap3A_487 = arith.index_cast %swap3A_486 : i32 to index
      %swap3A_488 = arith.index_cast %mul3A_465 : i32 to index
      %swap3A_489 = tpu.vector_load %arg5[%swap3A_487, %swap3A_488] {strides = array<i32>} : memref<16x2048xf32, #tpu.memory_space<vmem>>, vector<1x16xf32>,
      %swap3A_490 = vector.shape_cast %swap3A_489 : vector<1x16xf32> to vector<16xf32>
      %swap3A_491 = vector.shape_cast %convert_element_type3A_485 : vector<16xf32> to vector<1x16xf32>
      tpu.vector_store %arg5[%swap3A_487, %swap3A_488], %swap3A_491 {strides = array<i32>} : memref<16x2048xf32, #tpu.memory_space<vmem>>, vector<1x16xf32>,
      %slice3A_492 = vector.extract_strided_slice %get3A_21 {offsets = [9], sizes = [1], strides = [1]} : vector<16xi32> to vector<1xi32>
      %squeeze3A_493 = vector.extract %slice3A_492[0] : i32 from vector<1xi32>
      %jit3A_494 = arith.constant 16 : i32
      %div3A_495 = arith.divsi %squeeze3A_493, %jit3A_494 : i32
      %sign3A_496 = arith.constant 0 : i32
      %sign3A_497 = arith.cmpi sgt, %squeeze3A_493, %sign3A_496 : i32
      %sign3A_498 = arith.extui %sign3A_497 : i1 to i32
      %sign3A_499 = arith.constant 0 : i32
      %sign3A_500 = arith.cmpi slt, %squeeze3A_493, %sign3A_499 : i32
      %sign3A_501 = arith.extui %sign3A_500 : i1 to i32
      %sign3A_502 = arith.subi %sign3A_498, %sign3A_501 : i32
      %sign3A_503 = arith.constant 0 : i32
      %sign3A_504 = arith.cmpi sgt, %jit3A_494, %sign3A_503 : i32
      %sign3A_505 = arith.extui %sign3A_504 : i1 to i32
      %sign3A_506 = arith.constant 0 : i32
      %sign3A_507 = arith.cmpi slt, %jit3A_494, %sign3A_506 : i32
      %sign3A_508 = arith.extui %sign3A_507 : i1 to i32
      %sign3A_509 = arith.subi %sign3A_505, %sign3A_508 : i32
      %ne3A_510 = arith.cmpi ne, %sign3A_502, %sign3A_509 : i32
      %rem3A_511 = arith.remsi %squeeze3A_493, %jit3A_494 : i32
      %ne3A_512 = arith.constant 0 : i32
      %ne3A_513 = arith.cmpi ne, %rem3A_511, %ne3A_512 : i32
      %and3A_514 = arith.andi %ne3A_510, %ne3A_513 : i1
      %sub3A_515 = arith.constant 1 : i32
      %sub3A_516 = arith.subi %div3A_495, %sub3A_515 : i32
      %select_n3A_517 = arith.select %and3A_514, %sub3A_516, %div3A_495 : i32
      %mul3A_518 = arith.constant 16 : i32
      %mul3A_519 = arith.muli %select_n3A_517, %mul3A_518 : i32
      %jit3A_520 = arith.constant 16 : i32
      %eq3A_521 = arith.constant 0 : i32
      %eq3A_522 = arith.cmpi eq, %jit3A_520, %eq3A_521 : i32
      %jit3A_523 = arith.constant 1 : i32
      %select_n3A_524 = arith.select %eq3A_522, %jit3A_523, %jit3A_520 : i32
      %rem3A_525 = arith.remsi %squeeze3A_493, %select_n3A_524 : i32
      %ne3A_526 = arith.constant 0 : i32
      %ne3A_527 = arith.cmpi ne, %rem3A_525, %ne3A_526 : i32
      %lt3A_528 = arith.constant 0 : i32
      %lt3A_529 = arith.cmpi slt, %rem3A_525, %lt3A_528 : i32
      %lt3A_530 = arith.constant 0 : i32
      %lt3A_531 = arith.cmpi slt, %select_n3A_524, %lt3A_530 : i32
      %ne3A_532 = arith.xori %lt3A_529, %lt3A_531 : i1
      %and3A_533 = arith.andi %ne3A_532, %ne3A_527 : i1
      %add3A_534 = arith.addi %rem3A_525, %select_n3A_524 : i32
      %select_n3A_535 = arith.select %and3A_533, %add3A_534, %rem3A_525 : i32
      %broadcast_in_dim3A_536 = vector.broadcast %select_n3A_535 : i32 to vector<16xi32>
      %xor3A_537 = arith.xori %iota3A, %broadcast_in_dim3A_536 : vector<16xi32>
      %shift_right_logical3A_538 = arith.shrui %broadcast_in_dim3A_5, %xor3A_537 : vector<16xi32>
      %convert_element_type3A_539 = arith.sitofp %shift_right_logical3A_538 : vector<16xi32> to vector<16xf32>
      %swap3A_540 = arith.constant 9 : i32
      %swap3A_541 = arith.index_cast %swap3A_540 : i32 to index
      %swap3A_542 = arith.index_cast %mul3A_519 : i32 to index
      %swap3A_543 = tpu.vector_load %arg5[%swap3A_541, %swap3A_542] {strides = array<i32>} : memref<16x2048xf32, #tpu.memory_space<vmem>>, vector<1x16xf32>,
      %swap3A_544 = vector.shape_cast %swap3A_543 : vector<1x16xf32> to vector<16xf32>
      %swap3A_545 = vector.shape_cast %convert_element_type3A_539 : vector<16xf32> to vector<1x16xf32>
      tpu.vector_store %arg5[%swap3A_541, %swap3A_542], %swap3A_545 {strides = array<i32>} : memref<16x2048xf32, #tpu.memory_space<vmem>>, vector<1x16xf32>,
      %slice3A_546 = vector.extract_strided_slice %get3A_21 {offsets = [10], sizes = [1], strides = [1]} : vector<16xi32> to vector<1xi32>
      %squeeze3A_547 = vector.extract %slice3A_546[0] : i32 from vector<1xi32>
      %jit3A_548 = arith.constant 16 : i32
      %div3A_549 = arith.divsi %squeeze3A_547, %jit3A_548 : i32
      %sign3A_550 = arith.constant 0 : i32
      %sign3A_551 = arith.cmpi sgt, %squeeze3A_547, %sign3A_550 : i32
      %sign3A_552 = arith.extui %sign3A_551 : i1 to i32
      %sign3A_553 = arith.constant 0 : i32
      %sign3A_554 = arith.cmpi slt, %squeeze3A_547, %sign3A_553 : i32
      %sign3A_555 = arith.extui %sign3A_554 : i1 to i32
      %sign3A_556 = arith.subi %sign3A_552, %sign3A_555 : i32
      %sign3A_557 = arith.constant 0 : i32
      %sign3A_558 = arith.cmpi sgt, %jit3A_548, %sign3A_557 : i32
      %sign3A_559 = arith.extui %sign3A_558 : i1 to i32
      %sign3A_560 = arith.constant 0 : i32
      %sign3A_561 = arith.cmpi slt, %jit3A_548, %sign3A_560 : i32
      %sign3A_562 = arith.extui %sign3A_561 : i1 to i32
      %sign3A_563 = arith.subi %sign3A_559, %sign3A_562 : i32
      %ne3A_564 = arith.cmpi ne, %sign3A_556, %sign3A_563 : i32
      %rem3A_565 = arith.remsi %squeeze3A_547, %jit3A_548 : i32
      %ne3A_566 = arith.constant 0 : i32
      %ne3A_567 = arith.cmpi ne, %rem3A_565, %ne3A_566 : i32
      %and3A_568 = arith.andi %ne3A_564, %ne3A_567 : i1
      %sub3A_569 = arith.constant 1 : i32
      %sub3A_570 = arith.subi %div3A_549, %sub3A_569 : i32
      %select_n3A_571 = arith.select %and3A_568, %sub3A_570, %div3A_549 : i32
      %mul3A_572 = arith.constant 16 : i32
      %mul3A_573 = arith.muli %select_n3A_571, %mul3A_572 : i32
      %jit3A_574 = arith.constant 16 : i32
      %eq3A_575 = arith.constant 0 : i32
      %eq3A_576 = arith.cmpi eq, %jit3A_574, %eq3A_575 : i32
      %jit3A_577 = arith.constant 1 : i32
      %select_n3A_578 = arith.select %eq3A_576, %jit3A_577, %jit3A_574 : i32
      %rem3A_579 = arith.remsi %squeeze3A_547, %select_n3A_578 : i32
      %ne3A_580 = arith.constant 0 : i32
      %ne3A_581 = arith.cmpi ne, %rem3A_579, %ne3A_580 : i32
      %lt3A_582 = arith.constant 0 : i32
      %lt3A_583 = arith.cmpi slt, %rem3A_579, %lt3A_582 : i32
      %lt3A_584 = arith.constant 0 : i32
      %lt3A_585 = arith.cmpi slt, %select_n3A_578, %lt3A_584 : i32
      %ne3A_586 = arith.xori %lt3A_583, %lt3A_585 : i1
      %and3A_587 = arith.andi %ne3A_586, %ne3A_581 : i1
      %add3A_588 = arith.addi %rem3A_579, %select_n3A_578 : i32
      %select_n3A_589 = arith.select %and3A_587, %add3A_588, %rem3A_579 : i32
      %broadcast_in_dim3A_590 = vector.broadcast %select_n3A_589 : i32 to vector<16xi32>
      %xor3A_591 = arith.xori %iota3A, %broadcast_in_dim3A_590 : vector<16xi32>
      %shift_right_logical3A_592 = arith.shrui %broadcast_in_dim3A_5, %xor3A_591 : vector<16xi32>
      %convert_element_type3A_593 = arith.sitofp %shift_right_logical3A_592 : vector<16xi32> to vector<16xf32>
      %swap3A_594 = arith.constant 10 : i32
      %swap3A_595 = arith.index_cast %swap3A_594 : i32 to index
      %swap3A_596 = arith.index_cast %mul3A_573 : i32 to index
      %swap3A_597 = tpu.vector_load %arg5[%swap3A_595, %swap3A_596] {strides = array<i32>} : memref<16x2048xf32, #tpu.memory_space<vmem>>, vector<1x16xf32>,
      %swap3A_598 = vector.shape_cast %swap3A_597 : vector<1x16xf32> to vector<16xf32>
      %swap3A_599 = vector.shape_cast %convert_element_type3A_593 : vector<16xf32> to vector<1x16xf32>
      tpu.vector_store %arg5[%swap3A_595, %swap3A_596], %swap3A_599 {strides = array<i32>} : memref<16x2048xf32, #tpu.memory_space<vmem>>, vector<1x16xf32>,
      %slice3A_600 = vector.extract_strided_slice %get3A_21 {offsets = [11], sizes = [1], strides = [1]} : vector<16xi32> to vector<1xi32>
      %squeeze3A_601 = vector.extract %slice3A_600[0] : i32 from vector<1xi32>
      %jit3A_602 = arith.constant 16 : i32
      %div3A_603 = arith.divsi %squeeze3A_601, %jit3A_602 : i32
      %sign3A_604 = arith.constant 0 : i32
      %sign3A_605 = arith.cmpi sgt, %squeeze3A_601, %sign3A_604 : i32
      %sign3A_606 = arith.extui %sign3A_605 : i1 to i32
      %sign3A_607 = arith.constant 0 : i32
      %sign3A_608 = arith.cmpi slt, %squeeze3A_601, %sign3A_607 : i32
      %sign3A_609 = arith.extui %sign3A_608 : i1 to i32
      %sign3A_610 = arith.subi %sign3A_606, %sign3A_609 : i32
      %sign3A_611 = arith.constant 0 : i32
      %sign3A_612 = arith.cmpi sgt, %jit3A_602, %sign3A_611 : i32
      %sign3A_613 = arith.extui %sign3A_612 : i1 to i32
      %sign3A_614 = arith.constant 0 : i32
      %sign3A_615 = arith.cmpi slt, %jit3A_602, %sign3A_614 : i32
      %sign3A_616 = arith.extui %sign3A_615 : i1 to i32
      %sign3A_617 = arith.subi %sign3A_613, %sign3A_616 : i32
      %ne3A_618 = arith.cmpi ne, %sign3A_610, %sign3A_617 : i32
      %rem3A_619 = arith.remsi %squeeze3A_601, %jit3A_602 : i32
      %ne3A_620 = arith.constant 0 : i32
      %ne3A_621 = arith.cmpi ne, %rem3A_619, %ne3A_620 : i32
      %and3A_622 = arith.andi %ne3A_618, %ne3A_621 : i1
      %sub3A_623 = arith.constant 1 : i32
      %sub3A_624 = arith.subi %div3A_603, %sub3A_623 : i32
      %select_n3A_625 = arith.select %and3A_622, %sub3A_624, %div3A_603 : i32
      %mul3A_626 = arith.constant 16 : i32
      %mul3A_627 = arith.muli %select_n3A_625, %mul3A_626 : i32
      %jit3A_628 = arith.constant 16 : i32
      %eq3A_629 = arith.constant 0 : i32
      %eq3A_630 = arith.cmpi eq, %jit3A_628, %eq3A_629 : i32
      %jit3A_631 = arith.constant 1 : i32
      %select_n3A_632 = arith.select %eq3A_630, %jit3A_631, %jit3A_628 : i32
      %rem3A_633 = arith.remsi %squeeze3A_601, %select_n3A_632 : i32
      %ne3A_634 = arith.constant 0 : i32
      %ne3A_635 = arith.cmpi ne, %rem3A_633, %ne3A_634 : i32
      %lt3A_636 = arith.constant 0 : i32
      %lt3A_637 = arith.cmpi slt, %rem3A_633, %lt3A_636 : i32
      %lt3A_638 = arith.constant 0 : i32
      %lt3A_639 = arith.cmpi slt, %select_n3A_632, %lt3A_638 : i32
      %ne3A_640 = arith.xori %lt3A_637, %lt3A_639 : i1
      %and3A_641 = arith.andi %ne3A_640, %ne3A_635 : i1
      %add3A_642 = arith.addi %rem3A_633, %select_n3A_632 : i32
      %select_n3A_643 = arith.select %and3A_641, %add3A_642, %rem3A_633 : i32
      %broadcast_in_dim3A_644 = vector.broadcast %select_n3A_643 : i32 to vector<16xi32>
      %xor3A_645 = arith.xori %iota3A, %broadcast_in_dim3A_644 : vector<16xi32>
      %shift_right_logical3A_646 = arith.shrui %broadcast_in_dim3A_5, %xor3A_645 : vector<16xi32>
      %convert_element_type3A_647 = arith.sitofp %shift_right_logical3A_646 : vector<16xi32> to vector<16xf32>
      %swap3A_648 = arith.constant 11 : i32
      %swap3A_649 = arith.index_cast %swap3A_648 : i32 to index
      %swap3A_650 = arith.index_cast %mul3A_627 : i32 to index
      %swap3A_651 = tpu.vector_load %arg5[%swap3A_649, %swap3A_650] {strides = array<i32>} : memref<16x2048xf32, #tpu.memory_space<vmem>>, vector<1x16xf32>,
      %swap3A_652 = vector.shape_cast %swap3A_651 : vector<1x16xf32> to vector<16xf32>
      %swap3A_653 = vector.shape_cast %convert_element_type3A_647 : vector<16xf32> to vector<1x16xf32>
      tpu.vector_store %arg5[%swap3A_649, %swap3A_650], %swap3A_653 {strides = array<i32>} : memref<16x2048xf32, #tpu.memory_space<vmem>>, vector<1x16xf32>,
      %slice3A_654 = vector.extract_strided_slice %get3A_21 {offsets = [12], sizes = [1], strides = [1]} : vector<16xi32> to vector<1xi32>
      %squeeze3A_655 = vector.extract %slice3A_654[0] : i32 from vector<1xi32>
      %jit3A_656 = arith.constant 16 : i32
      %div3A_657 = arith.divsi %squeeze3A_655, %jit3A_656 : i32
      %sign3A_658 = arith.constant 0 : i32
      %sign3A_659 = arith.cmpi sgt, %squeeze3A_655, %sign3A_658 : i32
      %sign3A_660 = arith.extui %sign3A_659 : i1 to i32
      %sign3A_661 = arith.constant 0 : i32
      %sign3A_662 = arith.cmpi slt, %squeeze3A_655, %sign3A_661 : i32
      %sign3A_663 = arith.extui %sign3A_662 : i1 to i32
      %sign3A_664 = arith.subi %sign3A_660, %sign3A_663 : i32
      %sign3A_665 = arith.constant 0 : i32
      %sign3A_666 = arith.cmpi sgt, %jit3A_656, %sign3A_665 : i32
      %sign3A_667 = arith.extui %sign3A_666 : i1 to i32
      %sign3A_668 = arith.constant 0 : i32
      %sign3A_669 = arith.cmpi slt, %jit3A_656, %sign3A_668 : i32
      %sign3A_670 = arith.extui %sign3A_669 : i1 to i32
      %sign3A_671 = arith.subi %sign3A_667, %sign3A_670 : i32
      %ne3A_672 = arith.cmpi ne, %sign3A_664, %sign3A_671 : i32
      %rem3A_673 = arith.remsi %squeeze3A_655, %jit3A_656 : i32
      %ne3A_674 = arith.constant 0 : i32
      %ne3A_675 = arith.cmpi ne, %rem3A_673, %ne3A_674 : i32
      %and3A_676 = arith.andi %ne3A_672, %ne3A_675 : i1
      %sub3A_677 = arith.constant 1 : i32
      %sub3A_678 = arith.subi %div3A_657, %sub3A_677 : i32
      %select_n3A_679 = arith.select %and3A_676, %sub3A_678, %div3A_657 : i32
      %mul3A_680 = arith.constant 16 : i32
      %mul3A_681 = arith.muli %select_n3A_679, %mul3A_680 : i32
      %jit3A_682 = arith.constant 16 : i32
      %eq3A_683 = arith.constant 0 : i32
      %eq3A_684 = arith.cmpi eq, %jit3A_682, %eq3A_683 : i32
      %jit3A_685 = arith.constant 1 : i32
      %select_n3A_686 = arith.select %eq3A_684, %jit3A_685, %jit3A_682 : i32
      %rem3A_687 = arith.remsi %squeeze3A_655, %select_n3A_686 : i32
      %ne3A_688 = arith.constant 0 : i32
      %ne3A_689 = arith.cmpi ne, %rem3A_687, %ne3A_688 : i32
      %lt3A_690 = arith.constant 0 : i32
      %lt3A_691 = arith.cmpi slt, %rem3A_687, %lt3A_690 : i32
      %lt3A_692 = arith.constant 0 : i32
      %lt3A_693 = arith.cmpi slt, %select_n3A_686, %lt3A_692 : i32
      %ne3A_694 = arith.xori %lt3A_691, %lt3A_693 : i1
      %and3A_695 = arith.andi %ne3A_694, %ne3A_689 : i1
      %add3A_696 = arith.addi %rem3A_687, %select_n3A_686 : i32
      %select_n3A_697 = arith.select %and3A_695, %add3A_696, %rem3A_687 : i32
      %broadcast_in_dim3A_698 = vector.broadcast %select_n3A_697 : i32 to vector<16xi32>
      %xor3A_699 = arith.xori %iota3A, %broadcast_in_dim3A_698 : vector<16xi32>
      %shift_right_logical3A_700 = arith.shrui %broadcast_in_dim3A_5, %xor3A_699 : vector<16xi32>
      %convert_element_type3A_701 = arith.sitofp %shift_right_logical3A_700 : vector<16xi32> to vector<16xf32>
      %swap3A_702 = arith.constant 12 : i32
      %swap3A_703 = arith.index_cast %swap3A_702 : i32 to index
      %swap3A_704 = arith.index_cast %mul3A_681 : i32 to index
      %swap3A_705 = tpu.vector_load %arg5[%swap3A_703, %swap3A_704] {strides = array<i32>} : memref<16x2048xf32, #tpu.memory_space<vmem>>, vector<1x16xf32>,
      %swap3A_706 = vector.shape_cast %swap3A_705 : vector<1x16xf32> to vector<16xf32>
      %swap3A_707 = vector.shape_cast %convert_element_type3A_701 : vector<16xf32> to vector<1x16xf32>
      tpu.vector_store %arg5[%swap3A_703, %swap3A_704], %swap3A_707 {strides = array<i32>} : memref<16x2048xf32, #tpu.memory_space<vmem>>, vector<1x16xf32>,
      %slice3A_708 = vector.extract_strided_slice %get3A_21 {offsets = [13], sizes = [1], strides = [1]} : vector<16xi32> to vector<1xi32>
      %squeeze3A_709 = vector.extract %slice3A_708[0] : i32 from vector<1xi32>
      %jit3A_710 = arith.constant 16 : i32
      %div3A_711 = arith.divsi %squeeze3A_709, %jit3A_710 : i32
      %sign3A_712 = arith.constant 0 : i32
      %sign3A_713 = arith.cmpi sgt, %squeeze3A_709, %sign3A_712 : i32
      %sign3A_714 = arith.extui %sign3A_713 : i1 to i32
      %sign3A_715 = arith.constant 0 : i32
      %sign3A_716 = arith.cmpi slt, %squeeze3A_709, %sign3A_715 : i32
      %sign3A_717 = arith.extui %sign3A_716 : i1 to i32
      %sign3A_718 = arith.subi %sign3A_714, %sign3A_717 : i32
      %sign3A_719 = arith.constant 0 : i32
      %sign3A_720 = arith.cmpi sgt, %jit3A_710, %sign3A_719 : i32
      %sign3A_721 = arith.extui %sign3A_720 : i1 to i32
      %sign3A_722 = arith.constant 0 : i32
      %sign3A_723 = arith.cmpi slt, %jit3A_710, %sign3A_722 : i32
      %sign3A_724 = arith.extui %sign3A_723 : i1 to i32
      %sign3A_725 = arith.subi %sign3A_721, %sign3A_724 : i32
      %ne3A_726 = arith.cmpi ne, %sign3A_718, %sign3A_725 : i32
      %rem3A_727 = arith.remsi %squeeze3A_709, %jit3A_710 : i32
      %ne3A_728 = arith.constant 0 : i32
      %ne3A_729 = arith.cmpi ne, %rem3A_727, %ne3A_728 : i32
      %and3A_730 = arith.andi %ne3A_726, %ne3A_729 : i1
      %sub3A_731 = arith.constant 1 : i32
      %sub3A_732 = arith.subi %div3A_711, %sub3A_731 : i32
      %select_n3A_733 = arith.select %and3A_730, %sub3A_732, %div3A_711 : i32
      %mul3A_734 = arith.constant 16 : i32
      %mul3A_735 = arith.muli %select_n3A_733, %mul3A_734 : i32
      %jit3A_736 = arith.constant 16 : i32
      %eq3A_737 = arith.constant 0 : i32
      %eq3A_738 = arith.cmpi eq, %jit3A_736, %eq3A_737 : i32
      %jit3A_739 = arith.constant 1 : i32
      %select_n3A_740 = arith.select %eq3A_738, %jit3A_739, %jit3A_736 : i32
      %rem3A_741 = arith.remsi %squeeze3A_709, %select_n3A_740 : i32
      %ne3A_742 = arith.constant 0 : i32
      %ne3A_743 = arith.cmpi ne, %rem3A_741, %ne3A_742 : i32
      %lt3A_744 = arith.constant 0 : i32
      %lt3A_745 = arith.cmpi slt, %rem3A_741, %lt3A_744 : i32
      %lt3A_746 = arith.constant 0 : i32
      %lt3A_747 = arith.cmpi slt, %select_n3A_740, %lt3A_746 : i32
      %ne3A_748 = arith.xori %lt3A_745, %lt3A_747 : i1
      %and3A_749 = arith.andi %ne3A_748, %ne3A_743 : i1
      %add3A_750 = arith.addi %rem3A_741, %select_n3A_740 : i32
      %select_n3A_751 = arith.select %and3A_749, %add3A_750, %rem3A_741 : i32
      %broadcast_in_dim3A_752 = vector.broadcast %select_n3A_751 : i32 to vector<16xi32>
      %xor3A_753 = arith.xori %iota3A, %broadcast_in_dim3A_752 : vector<16xi32>
      %shift_right_logical3A_754 = arith.shrui %broadcast_in_dim3A_5, %xor3A_753 : vector<16xi32>
      %convert_element_type3A_755 = arith.sitofp %shift_right_logical3A_754 : vector<16xi32> to vector<16xf32>
      %swap3A_756 = arith.constant 13 : i32
      %swap3A_757 = arith.index_cast %swap3A_756 : i32 to index
      %swap3A_758 = arith.index_cast %mul3A_735 : i32 to index
      %swap3A_759 = tpu.vector_load %arg5[%swap3A_757, %swap3A_758] {strides = array<i32>} : memref<16x2048xf32, #tpu.memory_space<vmem>>, vector<1x16xf32>,
      %swap3A_760 = vector.shape_cast %swap3A_759 : vector<1x16xf32> to vector<16xf32>
      %swap3A_761 = vector.shape_cast %convert_element_type3A_755 : vector<16xf32> to vector<1x16xf32>
      tpu.vector_store %arg5[%swap3A_757, %swap3A_758], %swap3A_761 {strides = array<i32>} : memref<16x2048xf32, #tpu.memory_space<vmem>>, vector<1x16xf32>,
      %slice3A_762 = vector.extract_strided_slice %get3A_21 {offsets = [14], sizes = [1], strides = [1]} : vector<16xi32> to vector<1xi32>
      %squeeze3A_763 = vector.extract %slice3A_762[0] : i32 from vector<1xi32>
      %jit3A_764 = arith.constant 16 : i32
      %div3A_765 = arith.divsi %squeeze3A_763, %jit3A_764 : i32
      %sign3A_766 = arith.constant 0 : i32
      %sign3A_767 = arith.cmpi sgt, %squeeze3A_763, %sign3A_766 : i32
      %sign3A_768 = arith.extui %sign3A_767 : i1 to i32
      %sign3A_769 = arith.constant 0 : i32
      %sign3A_770 = arith.cmpi slt, %squeeze3A_763, %sign3A_769 : i32
      %sign3A_771 = arith.extui %sign3A_770 : i1 to i32
      %sign3A_772 = arith.subi %sign3A_768, %sign3A_771 : i32
      %sign3A_773 = arith.constant 0 : i32
      %sign3A_774 = arith.cmpi sgt, %jit3A_764, %sign3A_773 : i32
      %sign3A_775 = arith.extui %sign3A_774 : i1 to i32
      %sign3A_776 = arith.constant 0 : i32
      %sign3A_777 = arith.cmpi slt, %jit3A_764, %sign3A_776 : i32
      %sign3A_778 = arith.extui %sign3A_777 : i1 to i32
      %sign3A_779 = arith.subi %sign3A_775, %sign3A_778 : i32
      %ne3A_780 = arith.cmpi ne, %sign3A_772, %sign3A_779 : i32
      %rem3A_781 = arith.remsi %squeeze3A_763, %jit3A_764 : i32
      %ne3A_782 = arith.constant 0 : i32
      %ne3A_783 = arith.cmpi ne, %rem3A_781, %ne3A_782 : i32
      %and3A_784 = arith.andi %ne3A_780, %ne3A_783 : i1
      %sub3A_785 = arith.constant 1 : i32
      %sub3A_786 = arith.subi %div3A_765, %sub3A_785 : i32
      %select_n3A_787 = arith.select %and3A_784, %sub3A_786, %div3A_765 : i32
      %mul3A_788 = arith.constant 16 : i32
      %mul3A_789 = arith.muli %select_n3A_787, %mul3A_788 : i32
      %jit3A_790 = arith.constant 16 : i32
      %eq3A_791 = arith.constant 0 : i32
      %eq3A_792 = arith.cmpi eq, %jit3A_790, %eq3A_791 : i32
      %jit3A_793 = arith.constant 1 : i32
      %select_n3A_794 = arith.select %eq3A_792, %jit3A_793, %jit3A_790 : i32
      %rem3A_795 = arith.remsi %squeeze3A_763, %select_n3A_794 : i32
      %ne3A_796 = arith.constant 0 : i32
      %ne3A_797 = arith.cmpi ne, %rem3A_795, %ne3A_796 : i32
      %lt3A_798 = arith.constant 0 : i32
      %lt3A_799 = arith.cmpi slt, %rem3A_795, %lt3A_798 : i32
      %lt3A_800 = arith.constant 0 : i32
      %lt3A_801 = arith.cmpi slt, %select_n3A_794, %lt3A_800 : i32
      %ne3A_802 = arith.xori %lt3A_799, %lt3A_801 : i1
      %and3A_803 = arith.andi %ne3A_802, %ne3A_797 : i1
      %add3A_804 = arith.addi %rem3A_795, %select_n3A_794 : i32
      %select_n3A_805 = arith.select %and3A_803, %add3A_804, %rem3A_795 : i32
      %broadcast_in_dim3A_806 = vector.broadcast %select_n3A_805 : i32 to vector<16xi32>
      %xor3A_807 = arith.xori %iota3A, %broadcast_in_dim3A_806 : vector<16xi32>
      %shift_right_logical3A_808 = arith.shrui %broadcast_in_dim3A_5, %xor3A_807 : vector<16xi32>
      %convert_element_type3A_809 = arith.sitofp %shift_right_logical3A_808 : vector<16xi32> to vector<16xf32>
      %swap3A_810 = arith.constant 14 : i32
      %swap3A_811 = arith.index_cast %swap3A_810 : i32 to index
      %swap3A_812 = arith.index_cast %mul3A_789 : i32 to index
      %swap3A_813 = tpu.vector_load %arg5[%swap3A_811, %swap3A_812] {strides = array<i32>} : memref<16x2048xf32, #tpu.memory_space<vmem>>, vector<1x16xf32>,
      %swap3A_814 = vector.shape_cast %swap3A_813 : vector<1x16xf32> to vector<16xf32>
      %swap3A_815 = vector.shape_cast %convert_element_type3A_809 : vector<16xf32> to vector<1x16xf32>
      tpu.vector_store %arg5[%swap3A_811, %swap3A_812], %swap3A_815 {strides = array<i32>} : memref<16x2048xf32, #tpu.memory_space<vmem>>, vector<1x16xf32>,
      %slice3A_816 = vector.extract_strided_slice %get3A_21 {offsets = [15], sizes = [1], strides = [1]} : vector<16xi32> to vector<1xi32>
      %squeeze3A_817 = vector.extract %slice3A_816[0] : i32 from vector<1xi32>
      %jit3A_818 = arith.constant 16 : i32
      %div3A_819 = arith.divsi %squeeze3A_817, %jit3A_818 : i32
      %sign3A_820 = arith.constant 0 : i32
      %sign3A_821 = arith.cmpi sgt, %squeeze3A_817, %sign3A_820 : i32
      %sign3A_822 = arith.extui %sign3A_821 : i1 to i32
      %sign3A_823 = arith.constant 0 : i32
      %sign3A_824 = arith.cmpi slt, %squeeze3A_817, %sign3A_823 : i32
      %sign3A_825 = arith.extui %sign3A_824 : i1 to i32
      %sign3A_826 = arith.subi %sign3A_822, %sign3A_825 : i32
      %sign3A_827 = arith.constant 0 : i32
      %sign3A_828 = arith.cmpi sgt, %jit3A_818, %sign3A_827 : i32
      %sign3A_829 = arith.extui %sign3A_828 : i1 to i32
      %sign3A_830 = arith.constant 0 : i32
      %sign3A_831 = arith.cmpi slt, %jit3A_818, %sign3A_830 : i32
      %sign3A_832 = arith.extui %sign3A_831 : i1 to i32
      %sign3A_833 = arith.subi %sign3A_829, %sign3A_832 : i32
      %ne3A_834 = arith.cmpi ne, %sign3A_826, %sign3A_833 : i32
      %rem3A_835 = arith.remsi %squeeze3A_817, %jit3A_818 : i32
      %ne3A_836 = arith.constant 0 : i32
      %ne3A_837 = arith.cmpi ne, %rem3A_835, %ne3A_836 : i32
      %and3A_838 = arith.andi %ne3A_834, %ne3A_837 : i1
      %sub3A_839 = arith.constant 1 : i32
      %sub3A_840 = arith.subi %div3A_819, %sub3A_839 : i32
      %select_n3A_841 = arith.select %and3A_838, %sub3A_840, %div3A_819 : i32
      %mul3A_842 = arith.constant 16 : i32
      %mul3A_843 = arith.muli %select_n3A_841, %mul3A_842 : i32
      %jit3A_844 = arith.constant 16 : i32
      %eq3A_845 = arith.constant 0 : i32
      %eq3A_846 = arith.cmpi eq, %jit3A_844, %eq3A_845 : i32
      %jit3A_847 = arith.constant 1 : i32
      %select_n3A_848 = arith.select %eq3A_846, %jit3A_847, %jit3A_844 : i32
      %rem3A_849 = arith.remsi %squeeze3A_817, %select_n3A_848 : i32
      %ne3A_850 = arith.constant 0 : i32
      %ne3A_851 = arith.cmpi ne, %rem3A_849, %ne3A_850 : i32
      %lt3A_852 = arith.constant 0 : i32
      %lt3A_853 = arith.cmpi slt, %rem3A_849, %lt3A_852 : i32
      %lt3A_854 = arith.constant 0 : i32
      %lt3A_855 = arith.cmpi slt, %select_n3A_848, %lt3A_854 : i32
      %ne3A_856 = arith.xori %lt3A_853, %lt3A_855 : i1
      %and3A_857 = arith.andi %ne3A_856, %ne3A_851 : i1
      %add3A_858 = arith.addi %rem3A_849, %select_n3A_848 : i32
      %select_n3A_859 = arith.select %and3A_857, %add3A_858, %rem3A_849 : i32
      %broadcast_in_dim3A_860 = vector.broadcast %select_n3A_859 : i32 to vector<16xi32>
      %xor3A_861 = arith.xori %iota3A, %broadcast_in_dim3A_860 : vector<16xi32>
      %shift_right_logical3A_862 = arith.shrui %broadcast_in_dim3A_5, %xor3A_861 : vector<16xi32>
      %convert_element_type3A_863 = arith.sitofp %shift_right_logical3A_862 : vector<16xi32> to vector<16xf32>
      %swap3A_864 = arith.constant 15 : i32
      %swap3A_865 = arith.index_cast %swap3A_864 : i32 to index
      %swap3A_866 = arith.index_cast %mul3A_843 : i32 to index
      %swap3A_867 = tpu.vector_load %arg5[%swap3A_865, %swap3A_866] {strides = array<i32>} : memref<16x2048xf32, #tpu.memory_space<vmem>>, vector<1x16xf32>,
      %swap3A_868 = vector.shape_cast %swap3A_867 : vector<1x16xf32> to vector<16xf32>
      %swap3A_869 = vector.shape_cast %convert_element_type3A_863 : vector<16xf32> to vector<1x16xf32>
      tpu.vector_store %arg5[%swap3A_865, %swap3A_866], %swap3A_869 {strides = array<i32>} : memref<16x2048xf32, #tpu.memory_space<vmem>>, vector<1x16xf32>,
      %mul3A_870 = arith.constant 16 : i32
      %mul3A_871 = arith.muli %scan3A_17, %mul3A_870 : i32
      %add3A_872 = arith.addi %mul3A_2, %mul3A_871 : i32
      "tpu.region"() ({
        %run_scoped3A = tpu.sem_alloc : memref<!tpu.dma_semaphore, #tpu.memory_space<semaphore_mem>>
        %dma_start3A = arith.constant 0 : i32
        %dma_start3A_969 = tpu.memref_slice %arg3[%add3A_872, %dma_start3A] : memref<2048x2048xf32, #tpu.memory_space<hbm>> -> memref<16x2048xf32, #tpu.memory_space<hbm>>
        %dma_start3A_970 = arith.constant 0 : i32
        %dma_start3A_971 = tpu.memref_slice %arg3[%add3A_872, %dma_start3A_970] : memref<2048x2048xf32, #tpu.memory_space<hbm>> -> memref<16x2048xf32, #tpu.memory_space<hbm>>
        tpu.enqueue_dma source(%arg5 : memref<16x2048xf32, #tpu.memory_space<vmem>>) target(%dma_start3A_971 : memref<16x2048xf32, #tpu.memory_space<hbm>>) target_semaphore(%run_scoped3A : memref<!tpu.dma_semaphore, #tpu.memory_space<semaphore_mem>>)
        %dma_wait3A = arith.constant 0 : i32
        %dma_wait3A_972 = tpu.memref_slice %arg3[%add3A_872, %dma_wait3A] : memref<2048x2048xf32, #tpu.memory_space<hbm>> -> memref<16x2048xf32, #tpu.memory_space<hbm>>
        %dma_wait3A_973 = arith.constant 0 : i32
        %dma_wait3A_974 = tpu.memref_slice %arg3[%add3A_872, %dma_wait3A_973] : memref<2048x2048xf32, #tpu.memory_space<hbm>> -> memref<16x2048xf32, #tpu.memory_space<hbm>>
        tpu.wait_dma2 semaphore(%run_scoped3A : memref<!tpu.dma_semaphore, #tpu.memory_space<semaphore_mem>>) src(%arg5 : memref<16x2048xf32, #tpu.memory_space<vmem>>) dst(%dma_wait3A_974 : memref<16x2048xf32, #tpu.memory_space<hbm>>)
        tpu.yield
      }) : () -> ()
      %swap3A_873 = arith.constant 0 : i32
      %swap3A_874 = arith.index_cast %swap3A_873 : i32 to index
      %swap3A_875 = arith.index_cast %mul3A_39 : i32 to index
      %swap3A_876 = tpu.vector_load %arg5[%swap3A_874, %swap3A_875] {strides = array<i32>} : memref<16x2048xf32, #tpu.memory_space<vmem>>, vector<1x16xf32>,
      %swap3A_877 = vector.shape_cast %swap3A_876 : vector<1x16xf32> to vector<16xf32>
      %swap3A_878 = vector.shape_cast %broadcast_in_dim3A_3 : vector<16xf32> to vector<1x16xf32>
      tpu.vector_store %arg5[%swap3A_874, %swap3A_875], %swap3A_878 {strides = array<i32>} : memref<16x2048xf32, #tpu.memory_space<vmem>>, vector<1x16xf32>,
      %swap3A_879 = arith.constant 1 : i32
      %swap3A_880 = arith.index_cast %swap3A_879 : i32 to index
      %swap3A_881 = arith.index_cast %mul3A_87 : i32 to index
      %swap3A_882 = tpu.vector_load %arg5[%swap3A_880, %swap3A_881] {strides = array<i32>} : memref<16x2048xf32, #tpu.memory_space<vmem>>, vector<1x16xf32>,
      %swap3A_883 = vector.shape_cast %swap3A_882 : vector<1x16xf32> to vector<16xf32>
      %swap3A_884 = vector.shape_cast %broadcast_in_dim3A_3 : vector<16xf32> to vector<1x16xf32>
      tpu.vector_store %arg5[%swap3A_880, %swap3A_881], %swap3A_884 {strides = array<i32>} : memref<16x2048xf32, #tpu.memory_space<vmem>>, vector<1x16xf32>,
      %swap3A_885 = arith.constant 2 : i32
      %swap3A_886 = arith.index_cast %swap3A_885 : i32 to index
      %swap3A_887 = arith.index_cast %mul3A_141 : i32 to index
      %swap3A_888 = tpu.vector_load %arg5[%swap3A_886, %swap3A_887] {strides = array<i32>} : memref<16x2048xf32, #tpu.memory_space<vmem>>, vector<1x16xf32>,
      %swap3A_889 = vector.shape_cast %swap3A_888 : vector<1x16xf32> to vector<16xf32>
      %swap3A_890 = vector.shape_cast %broadcast_in_dim3A_3 : vector<16xf32> to vector<1x16xf32>
      tpu.vector_store %arg5[%swap3A_886, %swap3A_887], %swap3A_890 {strides = array<i32>} : memref<16x2048xf32, #tpu.memory_space<vmem>>, vector<1x16xf32>,
      %swap3A_891 = arith.constant 3 : i32
      %swap3A_892 = arith.index_cast %swap3A_891 : i32 to index
      %swap3A_893 = arith.index_cast %mul3A_195 : i32 to index
      %swap3A_894 = tpu.vector_load %arg5[%swap3A_892, %swap3A_893] {strides = array<i32>} : memref<16x2048xf32, #tpu.memory_space<vmem>>, vector<1x16xf32>,
      %swap3A_895 = vector.shape_cast %swap3A_894 : vector<1x16xf32> to vector<16xf32>
      %swap3A_896 = vector.shape_cast %broadcast_in_dim3A_3 : vector<16xf32> to vector<1x16xf32>
      tpu.vector_store %arg5[%swap3A_892, %swap3A_893], %swap3A_896 {strides = array<i32>} : memref<16x2048xf32, #tpu.memory_space<vmem>>, vector<1x16xf32>,
      %swap3A_897 = arith.constant 4 : i32
      %swap3A_898 = arith.index_cast %swap3A_897 : i32 to index
      %swap3A_899 = arith.index_cast %mul3A_249 : i32 to index
      %swap3A_900 = tpu.vector_load %arg5[%swap3A_898, %swap3A_899] {strides = array<i32>} : memref<16x2048xf32, #tpu.memory_space<vmem>>, vector<1x16xf32>,
      %swap3A_901 = vector.shape_cast %swap3A_900 : vector<1x16xf32> to vector<16xf32>
      %swap3A_902 = vector.shape_cast %broadcast_in_dim3A_3 : vector<16xf32> to vector<1x16xf32>
      tpu.vector_store %arg5[%swap3A_898, %swap3A_899], %swap3A_902 {strides = array<i32>} : memref<16x2048xf32, #tpu.memory_space<vmem>>, vector<1x16xf32>,
      %swap3A_903 = arith.constant 5 : i32
      %swap3A_904 = arith.index_cast %swap3A_903 : i32 to index
      %swap3A_905 = arith.index_cast %mul3A_303 : i32 to index
      %swap3A_906 = tpu.vector_load %arg5[%swap3A_904, %swap3A_905] {strides = array<i32>} : memref<16x2048xf32, #tpu.memory_space<vmem>>, vector<1x16xf32>,
      %swap3A_907 = vector.shape_cast %swap3A_906 : vector<1x16xf32> to vector<16xf32>
      %swap3A_908 = vector.shape_cast %broadcast_in_dim3A_3 : vector<16xf32> to vector<1x16xf32>
      tpu.vector_store %arg5[%swap3A_904, %swap3A_905], %swap3A_908 {strides = array<i32>} : memref<16x2048xf32, #tpu.memory_space<vmem>>, vector<1x16xf32>,
      %swap3A_909 = arith.constant 6 : i32
      %swap3A_910 = arith.index_cast %swap3A_909 : i32 to index
      %swap3A_911 = arith.index_cast %mul3A_357 : i32 to index
      %swap3A_912 = tpu.vector_load %arg5[%swap3A_910, %swap3A_911] {strides = array<i32>} : memref<16x2048xf32, #tpu.memory_space<vmem>>, vector<1x16xf32>,
      %swap3A_913 = vector.shape_cast %swap3A_912 : vector<1x16xf32> to vector<16xf32>
      %swap3A_914 = vector.shape_cast %broadcast_in_dim3A_3 : vector<16xf32> to vector<1x16xf32>
      tpu.vector_store %arg5[%swap3A_910, %swap3A_911], %swap3A_914 {strides = array<i32>} : memref<16x2048xf32, #tpu.memory_space<vmem>>, vector<1x16xf32>,
      %swap3A_915 = arith.constant 7 : i32
      %swap3A_916 = arith.index_cast %swap3A_915 : i32 to index
      %swap3A_917 = arith.index_cast %mul3A_411 : i32 to index
      %swap3A_918 = tpu.vector_load %arg5[%swap3A_916, %swap3A_917] {strides = array<i32>} : memref<16x2048xf32, #tpu.memory_space<vmem>>, vector<1x16xf32>,
      %swap3A_919 = vector.shape_cast %swap3A_918 : vector<1x16xf32> to vector<16xf32>
      %swap3A_920 = vector.shape_cast %broadcast_in_dim3A_3 : vector<16xf32> to vector<1x16xf32>
      tpu.vector_store %arg5[%swap3A_916, %swap3A_917], %swap3A_920 {strides = array<i32>} : memref<16x2048xf32, #tpu.memory_space<vmem>>, vector<1x16xf32>,
      %swap3A_921 = arith.constant 8 : i32
      %swap3A_922 = arith.index_cast %swap3A_921 : i32 to index
      %swap3A_923 = arith.index_cast %mul3A_465 : i32 to index
      %swap3A_924 = tpu.vector_load %arg5[%swap3A_922, %swap3A_923] {strides = array<i32>} : memref<16x2048xf32, #tpu.memory_space<vmem>>, vector<1x16xf32>,
      %swap3A_925 = vector.shape_cast %swap3A_924 : vector<1x16xf32> to vector<16xf32>
      %swap3A_926 = vector.shape_cast %broadcast_in_dim3A_3 : vector<16xf32> to vector<1x16xf32>
      tpu.vector_store %arg5[%swap3A_922, %swap3A_923], %swap3A_926 {strides = array<i32>} : memref<16x2048xf32, #tpu.memory_space<vmem>>, vector<1x16xf32>,
      %swap3A_927 = arith.constant 9 : i32
      %swap3A_928 = arith.index_cast %swap3A_927 : i32 to index
      %swap3A_929 = arith.index_cast %mul3A_519 : i32 to index
      %swap3A_930 = tpu.vector_load %arg5[%swap3A_928, %swap3A_929] {strides = array<i32>} : memref<16x2048xf32, #tpu.memory_space<vmem>>, vector<1x16xf32>,
      %swap3A_931 = vector.shape_cast %swap3A_930 : vector<1x16xf32> to vector<16xf32>
      %swap3A_932 = vector.shape_cast %broadcast_in_dim3A_3 : vector<16xf32> to vector<1x16xf32>
      tpu.vector_store %arg5[%swap3A_928, %swap3A_929], %swap3A_932 {strides = array<i32>} : memref<16x2048xf32, #tpu.memory_space<vmem>>, vector<1x16xf32>,
      %swap3A_933 = arith.constant 10 : i32
      %swap3A_934 = arith.index_cast %swap3A_933 : i32 to index
      %swap3A_935 = arith.index_cast %mul3A_573 : i32 to index
      %swap3A_936 = tpu.vector_load %arg5[%swap3A_934, %swap3A_935] {strides = array<i32>} : memref<16x2048xf32, #tpu.memory_space<vmem>>, vector<1x16xf32>,
      %swap3A_937 = vector.shape_cast %swap3A_936 : vector<1x16xf32> to vector<16xf32>
      %swap3A_938 = vector.shape_cast %broadcast_in_dim3A_3 : vector<16xf32> to vector<1x16xf32>
      tpu.vector_store %arg5[%swap3A_934, %swap3A_935], %swap3A_938 {strides = array<i32>} : memref<16x2048xf32, #tpu.memory_space<vmem>>, vector<1x16xf32>,
      %swap3A_939 = arith.constant 11 : i32
      %swap3A_940 = arith.index_cast %swap3A_939 : i32 to index
      %swap3A_941 = arith.index_cast %mul3A_627 : i32 to index
      %swap3A_942 = tpu.vector_load %arg5[%swap3A_940, %swap3A_941] {strides = array<i32>} : memref<16x2048xf32, #tpu.memory_space<vmem>>, vector<1x16xf32>,
      %swap3A_943 = vector.shape_cast %swap3A_942 : vector<1x16xf32> to vector<16xf32>
      %swap3A_944 = vector.shape_cast %broadcast_in_dim3A_3 : vector<16xf32> to vector<1x16xf32>
      tpu.vector_store %arg5[%swap3A_940, %swap3A_941], %swap3A_944 {strides = array<i32>} : memref<16x2048xf32, #tpu.memory_space<vmem>>, vector<1x16xf32>,
      %swap3A_945 = arith.constant 12 : i32
      %swap3A_946 = arith.index_cast %swap3A_945 : i32 to index
      %swap3A_947 = arith.index_cast %mul3A_681 : i32 to index
      %swap3A_948 = tpu.vector_load %arg5[%swap3A_946, %swap3A_947] {strides = array<i32>} : memref<16x2048xf32, #tpu.memory_space<vmem>>, vector<1x16xf32>,
      %swap3A_949 = vector.shape_cast %swap3A_948 : vector<1x16xf32> to vector<16xf32>
      %swap3A_950 = vector.shape_cast %broadcast_in_dim3A_3 : vector<16xf32> to vector<1x16xf32>
      tpu.vector_store %arg5[%swap3A_946, %swap3A_947], %swap3A_950 {strides = array<i32>} : memref<16x2048xf32, #tpu.memory_space<vmem>>, vector<1x16xf32>,
      %swap3A_951 = arith.constant 13 : i32
      %swap3A_952 = arith.index_cast %swap3A_951 : i32 to index
      %swap3A_953 = arith.index_cast %mul3A_735 : i32 to index
      %swap3A_954 = tpu.vector_load %arg5[%swap3A_952, %swap3A_953] {strides = array<i32>} : memref<16x2048xf32, #tpu.memory_space<vmem>>, vector<1x16xf32>,
      %swap3A_955 = vector.shape_cast %swap3A_954 : vector<1x16xf32> to vector<16xf32>
      %swap3A_956 = vector.shape_cast %broadcast_in_dim3A_3 : vector<16xf32> to vector<1x16xf32>
      tpu.vector_store %arg5[%swap3A_952, %swap3A_953], %swap3A_956 {strides = array<i32>} : memref<16x2048xf32, #tpu.memory_space<vmem>>, vector<1x16xf32>,
      %swap3A_957 = arith.constant 14 : i32
      %swap3A_958 = arith.index_cast %swap3A_957 : i32 to index
      %swap3A_959 = arith.index_cast %mul3A_789 : i32 to index
      %swap3A_960 = tpu.vector_load %arg5[%swap3A_958, %swap3A_959] {strides = array<i32>} : memref<16x2048xf32, #tpu.memory_space<vmem>>, vector<1x16xf32>,
      %swap3A_961 = vector.shape_cast %swap3A_960 : vector<1x16xf32> to vector<16xf32>
      %swap3A_962 = vector.shape_cast %broadcast_in_dim3A_3 : vector<16xf32> to vector<1x16xf32>
      tpu.vector_store %arg5[%swap3A_958, %swap3A_959], %swap3A_962 {strides = array<i32>} : memref<16x2048xf32, #tpu.memory_space<vmem>>, vector<1x16xf32>,
      %swap3A_963 = arith.constant 15 : i32
      %swap3A_964 = arith.index_cast %swap3A_963 : i32 to index
      %swap3A_965 = arith.index_cast %mul3A_843 : i32 to index
      %swap3A_966 = tpu.vector_load %arg5[%swap3A_964, %swap3A_965] {strides = array<i32>} : memref<16x2048xf32, #tpu.memory_space<vmem>>, vector<1x16xf32>,
      %swap3A_967 = vector.shape_cast %swap3A_966 : vector<1x16xf32> to vector<16xf32>
      %swap3A_968 = vector.shape_cast %broadcast_in_dim3A_3 : vector<16xf32> to vector<1x16xf32>
      tpu.vector_store %arg5[%swap3A_964, %swap3A_965], %swap3A_968 {strides = array<i32>} : memref<16x2048xf32, #tpu.memory_space<vmem>>, vector<1x16xf32>,
    }
    %scan3A_16 = arith.constant 4 : i32
    return
  }
}

module attributes {stable_mosaic.version = 14 : i64} {
  func.func @_tc_body(%arg0: i32, %arg1: memref<1x2048xi32, #tpu.memory_space<vmem>>, %arg2: memref<128x1xi32, #tpu.memory_space<vmem>>, %arg3: memref<8x128x2048xf32, #tpu.memory_space<vmem>>) attributes {dimension_semantics = [#tpu.dimension_semantics<arbitrary>], iteration_bounds = array<i64: 16>, scalar_prefetch = 0 : i64, scratch_operands = 0 : i64, tpu.core_type = #tpu.core_type<tc>, window_params = [{pipeline_mode = #tpu.pipeline_mode<synchronous>, transform_indices = @transform_0, window_bounds = array<i64: 1, 2048>}, {transform_indices = @transform_1, window_bounds = array<i64: 128, 1>}, {transform_indices = @transform_2, window_bounds = array<i64: 8, 128, 2048>}]} {
    %get3A = arith.constant 0 : index
    %get3A_0 = arith.constant 0 : index
    %get3A_1 = vector.load %arg2[%get3A, %get3A_0] : memref<128x1xi32, #tpu.memory_space<vmem>>, vector<128x1xi32>
    %get3A_2 = arith.constant 0 : index
    %get3A_3 = arith.constant 0 : index
    %get3A_4 = vector.load %arg1[%get3A_2, %get3A_3] : memref<1x2048xi32, #tpu.memory_space<vmem>>, vector<1x2048xi32>
    %eq3A = arith.constant 0 : i32
    %eq3A_5 = vector.broadcast %eq3A : i32 to vector<128x1xi32>
    %eq3A_6 = arith.cmpi eq, %get3A_1, %eq3A_5 : vector<128x1xi32>
    %convert_element_type3A = arith.extui %eq3A_6 : vector<128x1xi1> to vector<128x1xi32>
    %convert_element_type3A_7 = arith.sitofp %convert_element_type3A : vector<128x1xi32> to vector<128x1xf32>
    %broadcast_in_dim3A = vector.shape_cast %convert_element_type3A_7 : vector<128x1xf32> to vector<128x1xf32>
    %broadcast_in_dim3A_8 = vector.broadcast %broadcast_in_dim3A : vector<128x1xf32> to vector<128x2048xf32>
    %swap3A = arith.constant 0 : index
    %swap3A_9 = arith.constant 0 : index
    %swap3A_10 = arith.constant 0 : index
    %swap3A_11 = vector.load %arg3[%swap3A, %swap3A_9, %swap3A_10] : memref<8x128x2048xf32, #tpu.memory_space<vmem>>, vector<1x128x2048xf32>
    %swap3A_12 = vector.shape_cast %swap3A_11 : vector<1x128x2048xf32> to vector<128x2048xf32>
    %swap3A_13 = vector.shape_cast %broadcast_in_dim3A_8 : vector<128x2048xf32> to vector<1x128x2048xf32>
    tpu.vector_store %arg3[%swap3A, %swap3A_9, %swap3A_10], %swap3A_13 {strides = array<i32>} : memref<8x128x2048xf32, #tpu.memory_space<vmem>>, vector<1x128x2048xf32>,
    %eq3A_14 = arith.constant 0 : i32
    %eq3A_15 = vector.broadcast %eq3A_14 : i32 to vector<1x2048xi32>
    %eq3A_16 = arith.cmpi eq, %get3A_4, %eq3A_15 : vector<1x2048xi32>
    %convert_element_type3A_17 = arith.extui %eq3A_16 : vector<1x2048xi1> to vector<1x2048xi32>
    %convert_element_type3A_18 = arith.sitofp %convert_element_type3A_17 : vector<1x2048xi32> to vector<1x2048xf32>
    %broadcast_in_dim3A_19 = vector.shape_cast %convert_element_type3A_18 : vector<1x2048xf32> to vector<1x2048xf32>
    %broadcast_in_dim3A_20 = vector.broadcast %broadcast_in_dim3A_19 : vector<1x2048xf32> to vector<128x2048xf32>
    %swap3A_21 = arith.constant 4 : index
    %swap3A_22 = arith.constant 0 : index
    %swap3A_23 = arith.constant 0 : index
    %swap3A_24 = vector.load %arg3[%swap3A_21, %swap3A_22, %swap3A_23] : memref<8x128x2048xf32, #tpu.memory_space<vmem>>, vector<1x128x2048xf32>
    %swap3A_25 = vector.shape_cast %swap3A_24 : vector<1x128x2048xf32> to vector<128x2048xf32>
    %swap3A_26 = vector.shape_cast %broadcast_in_dim3A_20 : vector<128x2048xf32> to vector<1x128x2048xf32>
    tpu.vector_store %arg3[%swap3A_21, %swap3A_22, %swap3A_23], %swap3A_26 {strides = array<i32>} : memref<8x128x2048xf32, #tpu.memory_space<vmem>>, vector<1x128x2048xf32>,
    %eq3A_27 = arith.constant 1 : i32
    %eq3A_28 = vector.broadcast %eq3A_27 : i32 to vector<128x1xi32>
    %eq3A_29 = arith.cmpi eq, %get3A_1, %eq3A_28 : vector<128x1xi32>
    %convert_element_type3A_30 = arith.extui %eq3A_29 : vector<128x1xi1> to vector<128x1xi32>
    %convert_element_type3A_31 = arith.sitofp %convert_element_type3A_30 : vector<128x1xi32> to vector<128x1xf32>
    %broadcast_in_dim3A_32 = vector.shape_cast %convert_element_type3A_31 : vector<128x1xf32> to vector<128x1xf32>
    %broadcast_in_dim3A_33 = vector.broadcast %broadcast_in_dim3A_32 : vector<128x1xf32> to vector<128x2048xf32>
    %swap3A_34 = arith.constant 1 : index
    %swap3A_35 = arith.constant 0 : index
    %swap3A_36 = arith.constant 0 : index
    %swap3A_37 = vector.load %arg3[%swap3A_34, %swap3A_35, %swap3A_36] : memref<8x128x2048xf32, #tpu.memory_space<vmem>>, vector<1x128x2048xf32>
    %swap3A_38 = vector.shape_cast %swap3A_37 : vector<1x128x2048xf32> to vector<128x2048xf32>
    %swap3A_39 = vector.shape_cast %broadcast_in_dim3A_33 : vector<128x2048xf32> to vector<1x128x2048xf32>
    tpu.vector_store %arg3[%swap3A_34, %swap3A_35, %swap3A_36], %swap3A_39 {strides = array<i32>} : memref<8x128x2048xf32, #tpu.memory_space<vmem>>, vector<1x128x2048xf32>,
    %eq3A_40 = arith.constant 1 : i32
    %eq3A_41 = vector.broadcast %eq3A_40 : i32 to vector<1x2048xi32>
    %eq3A_42 = arith.cmpi eq, %get3A_4, %eq3A_41 : vector<1x2048xi32>
    %convert_element_type3A_43 = arith.extui %eq3A_42 : vector<1x2048xi1> to vector<1x2048xi32>
    %convert_element_type3A_44 = arith.sitofp %convert_element_type3A_43 : vector<1x2048xi32> to vector<1x2048xf32>
    %broadcast_in_dim3A_45 = vector.shape_cast %convert_element_type3A_44 : vector<1x2048xf32> to vector<1x2048xf32>
    %broadcast_in_dim3A_46 = vector.broadcast %broadcast_in_dim3A_45 : vector<1x2048xf32> to vector<128x2048xf32>
    %swap3A_47 = arith.constant 5 : index
    %swap3A_48 = arith.constant 0 : index
    %swap3A_49 = arith.constant 0 : index
    %swap3A_50 = vector.load %arg3[%swap3A_47, %swap3A_48, %swap3A_49] : memref<8x128x2048xf32, #tpu.memory_space<vmem>>, vector<1x128x2048xf32>
    %swap3A_51 = vector.shape_cast %swap3A_50 : vector<1x128x2048xf32> to vector<128x2048xf32>
    %swap3A_52 = vector.shape_cast %broadcast_in_dim3A_46 : vector<128x2048xf32> to vector<1x128x2048xf32>
    tpu.vector_store %arg3[%swap3A_47, %swap3A_48, %swap3A_49], %swap3A_52 {strides = array<i32>} : memref<8x128x2048xf32, #tpu.memory_space<vmem>>, vector<1x128x2048xf32>,
    %eq3A_53 = arith.constant 2 : i32
    %eq3A_54 = vector.broadcast %eq3A_53 : i32 to vector<128x1xi32>
    %eq3A_55 = arith.cmpi eq, %get3A_1, %eq3A_54 : vector<128x1xi32>
    %convert_element_type3A_56 = arith.extui %eq3A_55 : vector<128x1xi1> to vector<128x1xi32>
    %convert_element_type3A_57 = arith.sitofp %convert_element_type3A_56 : vector<128x1xi32> to vector<128x1xf32>
    %broadcast_in_dim3A_58 = vector.shape_cast %convert_element_type3A_57 : vector<128x1xf32> to vector<128x1xf32>
    %broadcast_in_dim3A_59 = vector.broadcast %broadcast_in_dim3A_58 : vector<128x1xf32> to vector<128x2048xf32>
    %swap3A_60 = arith.constant 2 : index
    %swap3A_61 = arith.constant 0 : index
    %swap3A_62 = arith.constant 0 : index
    %swap3A_63 = vector.load %arg3[%swap3A_60, %swap3A_61, %swap3A_62] : memref<8x128x2048xf32, #tpu.memory_space<vmem>>, vector<1x128x2048xf32>
    %swap3A_64 = vector.shape_cast %swap3A_63 : vector<1x128x2048xf32> to vector<128x2048xf32>
    %swap3A_65 = vector.shape_cast %broadcast_in_dim3A_59 : vector<128x2048xf32> to vector<1x128x2048xf32>
    tpu.vector_store %arg3[%swap3A_60, %swap3A_61, %swap3A_62], %swap3A_65 {strides = array<i32>} : memref<8x128x2048xf32, #tpu.memory_space<vmem>>, vector<1x128x2048xf32>,
    %eq3A_66 = arith.constant 2 : i32
    %eq3A_67 = vector.broadcast %eq3A_66 : i32 to vector<1x2048xi32>
    %eq3A_68 = arith.cmpi eq, %get3A_4, %eq3A_67 : vector<1x2048xi32>
    %convert_element_type3A_69 = arith.extui %eq3A_68 : vector<1x2048xi1> to vector<1x2048xi32>
    %convert_element_type3A_70 = arith.sitofp %convert_element_type3A_69 : vector<1x2048xi32> to vector<1x2048xf32>
    %broadcast_in_dim3A_71 = vector.shape_cast %convert_element_type3A_70 : vector<1x2048xf32> to vector<1x2048xf32>
    %broadcast_in_dim3A_72 = vector.broadcast %broadcast_in_dim3A_71 : vector<1x2048xf32> to vector<128x2048xf32>
    %swap3A_73 = arith.constant 6 : index
    %swap3A_74 = arith.constant 0 : index
    %swap3A_75 = arith.constant 0 : index
    %swap3A_76 = vector.load %arg3[%swap3A_73, %swap3A_74, %swap3A_75] : memref<8x128x2048xf32, #tpu.memory_space<vmem>>, vector<1x128x2048xf32>
    %swap3A_77 = vector.shape_cast %swap3A_76 : vector<1x128x2048xf32> to vector<128x2048xf32>
    %swap3A_78 = vector.shape_cast %broadcast_in_dim3A_72 : vector<128x2048xf32> to vector<1x128x2048xf32>
    tpu.vector_store %arg3[%swap3A_73, %swap3A_74, %swap3A_75], %swap3A_78 {strides = array<i32>} : memref<8x128x2048xf32, #tpu.memory_space<vmem>>, vector<1x128x2048xf32>,
    %eq3A_79 = arith.constant 3 : i32
    %eq3A_80 = vector.broadcast %eq3A_79 : i32 to vector<128x1xi32>
    %eq3A_81 = arith.cmpi eq, %get3A_1, %eq3A_80 : vector<128x1xi32>
    %convert_element_type3A_82 = arith.extui %eq3A_81 : vector<128x1xi1> to vector<128x1xi32>
    %convert_element_type3A_83 = arith.sitofp %convert_element_type3A_82 : vector<128x1xi32> to vector<128x1xf32>
    %broadcast_in_dim3A_84 = vector.shape_cast %convert_element_type3A_83 : vector<128x1xf32> to vector<128x1xf32>
    %broadcast_in_dim3A_85 = vector.broadcast %broadcast_in_dim3A_84 : vector<128x1xf32> to vector<128x2048xf32>
    %swap3A_86 = arith.constant 3 : index
    %swap3A_87 = arith.constant 0 : index
    %swap3A_88 = arith.constant 0 : index
    %swap3A_89 = vector.load %arg3[%swap3A_86, %swap3A_87, %swap3A_88] : memref<8x128x2048xf32, #tpu.memory_space<vmem>>, vector<1x128x2048xf32>
    %swap3A_90 = vector.shape_cast %swap3A_89 : vector<1x128x2048xf32> to vector<128x2048xf32>
    %swap3A_91 = vector.shape_cast %broadcast_in_dim3A_85 : vector<128x2048xf32> to vector<1x128x2048xf32>
    tpu.vector_store %arg3[%swap3A_86, %swap3A_87, %swap3A_88], %swap3A_91 {strides = array<i32>} : memref<8x128x2048xf32, #tpu.memory_space<vmem>>, vector<1x128x2048xf32>,
    %eq3A_92 = arith.constant 3 : i32
    %eq3A_93 = vector.broadcast %eq3A_92 : i32 to vector<1x2048xi32>
    %eq3A_94 = arith.cmpi eq, %get3A_4, %eq3A_93 : vector<1x2048xi32>
    %convert_element_type3A_95 = arith.extui %eq3A_94 : vector<1x2048xi1> to vector<1x2048xi32>
    %convert_element_type3A_96 = arith.sitofp %convert_element_type3A_95 : vector<1x2048xi32> to vector<1x2048xf32>
    %broadcast_in_dim3A_97 = vector.shape_cast %convert_element_type3A_96 : vector<1x2048xf32> to vector<1x2048xf32>
    %broadcast_in_dim3A_98 = vector.broadcast %broadcast_in_dim3A_97 : vector<1x2048xf32> to vector<128x2048xf32>
    %swap3A_99 = arith.constant 7 : index
    %swap3A_100 = arith.constant 0 : index
    %swap3A_101 = arith.constant 0 : index
    %swap3A_102 = vector.load %arg3[%swap3A_99, %swap3A_100, %swap3A_101] : memref<8x128x2048xf32, #tpu.memory_space<vmem>>, vector<1x128x2048xf32>
    %swap3A_103 = vector.shape_cast %swap3A_102 : vector<1x128x2048xf32> to vector<128x2048xf32>
    %swap3A_104 = vector.shape_cast %broadcast_in_dim3A_98 : vector<128x2048xf32> to vector<1x128x2048xf32>
    tpu.vector_store %arg3[%swap3A_99, %swap3A_100, %swap3A_101], %swap3A_104 {strides = array<i32>} : memref<8x128x2048xf32, #tpu.memory_space<vmem>>, vector<1x128x2048xf32>,
    return
  }
  func.func @transform_0(%arg0: i32) -> (i32, i32) {
    %c0_i32 = arith.constant 0 : i32
    %c0_i32_0 = arith.constant 0 : i32
    %c0_i32_1 = arith.constant 0 : i32
    return %c0_i32, %c0_i32_0 : i32, i32
  }
  func.func @transform_1(%arg0: i32) -> (i32, i32) {
    %c0_i32 = arith.constant 0 : i32
    %c0_i32_0 = arith.constant 0 : i32
    return %arg0, %c0_i32 : i32, i32
  }
  func.func @transform_2(%arg0: i32) -> (i32, i32, i32) {
    %c0_i32 = arith.constant 0 : i32
    %c0_i32_0 = arith.constant 0 : i32
    %c0_i32_1 = arith.constant 0 : i32
    return %c0_i32, %arg0, %c0_i32_0 : i32, i32, i32
  }
}

</mosaic_0001>

<sc_bundles>
// kernel: kernel.4.cloned.1.call-start
scs
__scs_entry_jumppad:
0x0: {  	(pc) =	sbr.rel $0x88, $3  }
0x1: {  	(tag) =	ssettag $0x0;
	lr =	simm.s32 $0x1  }
0x2: {  	[smem:$0x3F9F] =	sst lr;
	_ =	strace $0xD0000000  }
0x3: {  	_ = 	snop  }
0x4: {  	_ = 	snop  }
0x5: {  	_ = 	snop  }
0x6: {  	_ = 	snop  }
0x7: {  	_ = 	snop  }
__scs_overlays_trampoline_lowered:
0x8: {  	[smem:$0x3FAE] =	sst s0  }
0x9: {  	[smem:$0x3FAF] =	sst s1  }
0xa: {  	[smem:$0x3FB0] =	sst s2  }
0xb: {  	[smem:$0x3FB1] =	sst s3  }
0xc: {  	[smem:$0x3FB2] =	sst s4  }
0xd: {  	[smem:$0x3FB3] =	sst s5  }
0xe: {  	[smem:$0x3FB4] =	sst s6  }
0xf: {  	[smem:$0x3FB5] =	sst s7  }
0x10: {  	[smem:$0x3FB6] =	sst s8  }
0x11: {  	[smem:$0x3FB7] =	sst s9;
	s0 =	simm.s32 @!p0 $0x0  }
0x12: {  	s1 =	sld [smem:$0x3F9D];
	s0 =	simm.s32 @p0 $0x1  }
0x13: {  	[smem:$0x3FB8] =	sst s0;
	s0 =	simm.s32 @!p1 $0x0  }
0x14: {  	s2 =	sld [smem:$0x3F9C];
	s0 =	simm.s32 @p1 $0x1  }
0x15: {  	[smem:$0x3FB9] =	sst s0;
	s0 =	simm.s32 @!p2 $0x0  }
0x16: {  	s3 =	sld [smem:$0x3FDB];
	s0 =	simm.s32 @p2 $0x1  }
0x17: {  	s4 =	simm.s32 $0x1BF5;
	[smem:$0x3FBB] =	sst s0  }
0x18: {  	s0 =	sld [smem:$0x3F9E];
	_ =	swait.ge [sflag:s4], $0x0  }
0x19: {  	s7 =	sld [smem:$0x3F9F]  }
0x1a: {  	s8 =	sadd.s32 $0xFFFFE003, lr  }
0x1b: {  	s9 =	sadd.s32 $0xFFFFFEF7, lr;
	s5 =	simm.s32 $0xFFFFFFFF;
	p2 =	slt.u32 s8, $0xFFFFF086  }
0x1c: {  	p1 =	slt.u32 s9, $0xF7A;
	s5 =	simm.s32 @!p2 $0x0  }
0x1d: {  	s5 =	simm.s32 @p1 $0x1;
	p0 =	seq.s32 s7, s2  }
0x1e: {  	s7 =	smul.u32 @!p0 $0xF7A, s2;
	p2 =	seq.s32 @!p0 s5, $0x0  }
0x1f: {  	s9 =	smul.u32 $0xF7A, s1;
	s8 =	simm.s32 @!p0 $0x1BF5;
	p2 =	por !p2, p0  }
0x20: {  	[sflag:s8] =	ssyncset.s32 @!p0 $0xFFFFF086;
	s6 =	sadd.s32 @!p0 s3, s7;
	s7 =	simm.s32 @!p0 $0x108  }
0x21: {  	s3 =	sadd.s32 s3, s9;
	s6 =	sadd.s32 @!p0 $0x88, s6;
	s7 =	simm.s32 @p2 $0x1082  }
0x22: {  	[simem:s7], [sflag:s8] =	dma.local @!p0 [hbm:s6], $0xF7A  }
0x23: {  	s9 =	sor.u32 $0xD0000000, s2;
	s6 =	simm.s32 $0x108;
	_ =	swait.ge @!p0 [sflag:s8], $0x0  }
0x24: {  	s3 =	sadd.s32 $0x88, s3;
	s6 =	simm.s32 @!p1 $0x1082;
	[sflag:s4] =	ssyncset.s32 $0xFFFFF086  }
0x25: {  	[simem:s6], [sflag:s4] =	dma.local [hbm:s3], $0xF7A  }
0x26: {  	[smem:$0x3F9F] =	sst s1;
	(tag) =	ssettag s2;
	_ =	strace s9  }
0x27: {  	s1 =	sld [smem:$0x3FAF]  }
0x28: {  	s2 =	sld [smem:$0x3FB0]  }
0x29: {  	s4 =	sld [smem:$0x3FB2]  }
0x2a: {  	p0 =	seq.s32 s5, $0x0;
	s5 =	sld [smem:$0x3FB3]  }
0x2b: {  	s6 =	sld [smem:$0x3FB4]  }
0x2c: {  	s7 =	sld [smem:$0x3FB5]  }
0x2d: {  	s3 =	simm.s32 $0x108;
	s8 =	sld [smem:$0x3FB6]  }
0x2e: {  	s3 =	simm.s32 @!p0 $0x1082;
	s9 =	sld [smem:$0x3FB7]  }
0x2f: {  	lr =	sadd.s32 s0, s3;
	s0 =	sld [smem:$0x3FAE]  }
0x30: {  	s3 =	sld [smem:$0x3FB1]  }
0x31: {  	[smem:$0x3FBA] =	sst s10  }
0x32: {  	s10 =	sld [smem:$0x3FB8];
	_ =	sdelay $0x3  }
0x33: {  	p0 =	seq.s32 s10, $0x1;
	s10 =	sld [smem:$0x3FBA];
	_ =	sdelay $0x3  }
0x34: {  	[smem:$0x3FBA] =	sst s10  }
0x35: {  	s10 =	sld [smem:$0x3FB9];
	_ =	sdelay $0x3  }
0x36: {  	p1 =	seq.s32 s10, $0x1;
	s10 =	sld [smem:$0x3FBA];
	_ =	sdelay $0x3  }
0x37: {  	[smem:$0x3FBA] =	sst s10  }
0x38: {  	s10 =	sld [smem:$0x3FBB]  }
0x39: {  	_ = 	snop;
	(pc) =	sbr.ind lr, $3  }
0x3a: {  	_ = 	snop  }
0x3b: {  	_ = 	snop  }
0x3c: {  	p2 =	seq.s32 s10, $0x1;
	s10 =	sld [smem:$0x3FBA]  }
0x3d: {  	_ =	shalt  }
0x3e: {  	_ =	shalt  }
0x3f: {  	_ =	shalt  }
0x40: {  	_ =	shalt  }
0x41: {  	_ =	shalt  }
0x42: {  	_ =	shalt  }
0x43: {  	_ =	shalt  }
0x44: {  	_ =	shalt  }
0x45: {  	_ =	shalt  }
0x46: {  	_ =	shalt  }
0x47: {  	_ =	shalt  }
0x48: {  	_ =	shalt  }
0x49: {  	_ =	shalt  }
0x4a: {  	_ =	shalt  }
0x4b: {  	_ =	shalt  }
0x4c: {  	_ =	shalt  }
0x4d: {  	_ =	shalt  }
0x4e: {  	_ =	shalt  }
0x4f: {  	_ =	shalt  }
0x50: {  	_ =	shalt  }
0x51: {  	_ =	shalt  }
0x52: {  	_ =	shalt  }
0x53: {  	_ =	shalt  }
0x54: {  	_ =	shalt  }
0x55: {  	_ =	shalt  }
0x56: {  	_ =	shalt  }
0x57: {  	_ =	shalt  }
0x58: {  	_ =	shalt  }
0x59: {  	_ =	shalt  }
0x5a: {  	_ =	shalt  }
0x5b: {  	_ =	shalt  }
0x5c: {  	_ =	shalt  }
0x5d: {  	_ =	shalt  }
0x5e: {  	_ =	shalt  }
0x5f: {  	_ =	shalt  }
0x60: {  	_ =	shalt  }
0x61: {  	_ =	shalt  }
0x62: {  	_ =	shalt  }
0x63: {  	_ =	shalt  }
0x64: {  	_ =	shalt  }
0x65: {  	_ =	shalt  }
0x66: {  	_ =	shalt  }
0x67: {  	_ =	shalt  }
0x68: {  	_ =	shalt  }
0x69: {  	_ =	shalt  }
0x6a: {  	_ =	shalt  }
0x6b: {  	_ =	shalt  }
0x6c: {  	_ =	shalt  }
0x6d: {  	_ =	shalt  }
0x6e: {  	_ =	shalt  }
0x6f: {  	_ =	shalt  }
0x70: {  	_ =	shalt  }
0x71: {  	_ =	shalt  }
0x72: {  	_ =	shalt  }
0x73: {  	_ =	shalt  }
0x74: {  	_ =	shalt  }
0x75: {  	_ =	shalt  }
0x76: {  	_ =	shalt  }
0x77: {  	_ =	shalt  }
0x78: {  	_ =	shalt  }
0x79: {  	_ =	shalt  }
0x7a: {  	_ =	shalt  }
0x7b: {  	_ =	shalt  }
0x7c: {  	_ =	shalt  }
0x7d: {  	_ =	shalt  }
0x7e: {  	_ =	shalt  }
0x7f: {  	_ =	shalt  }
0x80: {  	_ =	shalt  }
0x81: {  	_ =	shalt  }
0x82: {  	_ =	shalt  }
0x83: {  	_ =	shalt  }
0x84: {  	_ =	shalt  }
0x85: {  	_ =	shalt  }
0x86: {  	_ =	shalt  }
0x87: {  	_ =	shalt  }
.Lfunc_end0:
.L_simem_size_0:
called_computation_lowered:
.L_overlay_start_0:
0x88: {  	s2 =	sld [smem:$0x3FD9]  }
0x89: {  	s3 =	sld [smem:$0x3FFE];
	_ =	sdelay $0x1  }
0x8a: {  	s1 =	srdreg.scid  }
0x8b: {  	s0 =	sand.u32 $0x1, s1  }
0x8c: {  	s15 =	sshll.u32 s0, $0xA;
	s2 =	sadd.s32 s3, s2  }
0x8d: {  	s2 =	sadd.s32 s2, s15  }
0x8e: {  	[smem:$0x3FC6] =	sst s2  }
0x8f: {  	_ = 	snop  }
0x90: {  	s2 =	sld [smem:$0x3FD0];
	_ =	sdelay $0x2  }
0x91: {  	s4 =	simm.s32 $0xA;
	s5 =	simm.s32 $0x10;
	s16 =	sld [smem:$0x3FC8]  }
0x92: {  	[smem:s5], [sflag:s4] =	dma.local [hbm:s2], $0x1  }
0x93: {  	_ =	swait.eq [sflag:s4], $0x1  }
0x94: {  	[sflag:s4] =	ssyncset.done $0x0  }
0x95: {  	[sflag:s4] =	ssyncadd.s32 $0xFFFFFFFF  }
0x96: {  	s17 =	sld [smem:$0x11];
	(tm) =	ssettm $0x1  }
0x97: {  	s18 =	sld [smem:$0x3FFB];
	_ =	sdelay $0x3  }
0x98: {  	_ =	strace s18  }
0x99: {  	s4 =	sld [smem:$0x3FFC];
	_ =	sdelay $0x3  }
0x9a: {  	_ =	strace s4  }
0x9b: {  	s4 =	sld [smem:$0x3FFD];
	_ =	sdelay $0x3  }
0x9c: {  	_ =	strace s4  }
0x9d: {  	_ =	strace $0x8FFFFFFF  }
0x9e: {  	s19 =	sld [smem:$0x3FDB];
	_ =	sdelay $0x1  }
0x9f: {  	s20 =	simm.s32 $_scs_section_size  }
0xa0: {  	s6 =	simm.s32 $_size__tile_overlayer_lowered;
	s7 =	simm.s32 $_tile_overlayer_lowered  }
0xa1: {  	s23 =	simm.s32 $0x1BFF;
	s22 =	sshll.u32 s7, $0x1;
	s4 =	sadd.s32 s20, s19  }
0xa2: {  	s8 =	simm.s32 $0x0;
	s21 =	sshll.u32 s6, $0x1;
	s6 =	sadd.s32 s22, s4  }
0xa3: {  	[timem:s8], [sflag:s23] =	dma.local [hbm:s6], s21  }
0xa4: {  	_ =	swait.ge [sflag:s23], s21  }
0xa5: {  	s5 =	ssub.s32 $0x0, s21;
	[sflag:s23] =	ssyncset.done $0x0  }
0xa6: {  	[sflag:s23] =	ssyncadd.s32 s5;
	_ =	sdelay $0x1  }
0xa7: {  	s24 =	simm.s32 $0x1B8B  }
0xa8: {  	_ =	swait.ge [sflag:s24], $0x1  }
0xa9: {  	[sflag:s24] =	ssyncset.done $0x0  }
0xaa: {  	s25 =	simm.s32 $0x1B8E;
	[sflag:s24] =	ssyncadd.s32 $0xFFFFFFFF  }
0xab: {  	s26 =	simm.s32 $execute0_lowered;
	[smem:$0x3FD2] =	sst s25  }
0xac: {  	s5 =	sshll.u32 s26, $0x1;
	_ =	strace $0x80000046;
	[dreg:$0x1] =	wrdreg $0xFFFFFFFF  }
0xad: {  	s28 =	simm.s32 $_size_execute0_lowered;
	s4 =	sadd.s32 s4, s5;
	[dreg:$0x0] =	wrdreg $0x0  }
0xae: {  	s5 =	sshll.u32 s28, $0x1;
	[dreg:$0x2] =	wrdreg s4  }
0xaf: {  	[dreg:$0x3] =	wrdreg s5  }
0xb0: {  	[dreg:$0x4] =	wrdreg $0xC0  }
0xb1: {  	_ =	task [dreg:s8], $0x5FFFF  }
0xb2: {  	[dreg:$0x1] =	wrdreg $0xFFFFFFFF  }
0xb3: {  	[dreg:$0x0] =	wrdreg $0x60  }
0xb4: {  	[dreg:$0x2] =	wrdreg s16  }
0xb5: {  	[dreg:$0x3] =	wrdreg s17  }
0xb6: {  	[dreg:$0x4] =	wrdreg $0x9  }
0xb7: {  	_ =	task.clear_ibuf [dreg:s8], $0x5FFFF;
	_ =	strace $0x90000046  }
0xb8: {  	s29 =	simm.s32 $0x9;
	_ =	strace $0x80000048  }
0xb9: {  	_ =	swait.ge [sflag:s29], $0x1  }
0xba: {  	[sflag:s29] =	ssyncadd.s32 $0xFFFFFFFF  }
0xbb: {  	_ =	strace $0x90000048  }
0xbc: {  	_ =	sfence  }
0xbd: {  	s30 =	sld [smem:$0x0];
	_ =	sdelay $0x2  }
0xbe: {  	s31 =	sshll.u32 s1, $0xD;
	s1 =	sshrl.u32 s1, $0x2  }
0xbf: {  	s3 =	sand.u32 $0x4000, s31;
	s1 =	sadd.s32 s1, s30  }
0xc0: {  	s0 =	sor.u32 s3, s0;
	s1 =	sshll.u32 s1, $0x11  }
0xc1: {  	s0 =	sor.u32 s1, s0  }
0xc2: {  	s0 =	sadd.s32 $0x8F2B, s0  }
0xc3: {  	[sflag:s0] =	ssyncadd.remote.s32 $0x1  }
0xc4: {  	_ =	sfence.sel $0xFFFF  }
0xc5: {  	[dreg:$0x0] =	wrdreg $0xFFFFFFFF;
	(pc) =	sbr.abs _section_cstart, $3  }
0xc6: {  	[dreg:$0x1] =	wrdreg $0xFFFFFFFF  }
0xc7: {  	_ =	task.clear_ibuf [dreg:s8], $0x2FFFF;
	_ =	strace $0x9FFFFFFF  }
0xc8: {  	(tm) =	ssettm $0x7FFFFFFF  }
0xc9: {  	_ =	shalt  }
tec
execute0_lowered:
.L_overlay_start_1:
0x0: {  	(tag) =	ssettag $0x1  }
0x1: {  	s0 =	rddreg [dreg:$0x0]  }
0x2: {  	s1 =	rddreg [dreg:$0x1]  }
0x3: {  	s7 =	simm.s32 $0x0;
	s2 =	srdreg.scid;
	s6 =	stileid.u32  }
0x4: {  	s31 =	simm.s32 $0x80;
	[smem:$0x7FF] =	sst s7;
	s2 =	sand.u32 $0x1, s2  }
0x5: {  	s4 =	sshll.u32 s6, $0x7;
	s26 =	sshll.u32 s6, $0xF;
	s5 =	sshll.u32 s2, $0x6  }
0x6: {  	s3 =	ssub.s32 $0x2, s2;
	_ =	strace $0x80000047;
	s4 =	sor.u32 s5, s4  }
0x7: {  	s28 =	sadd.s32 s26, s1;
	s25 =	sshrl.u32 s3, $0x1;
	s4 =	sshrl.u32 s4, $0x3  }
0x8: {  	[dreg:$0x3] =	wrdreg s31;
	s3 =	ssub.s32 s3, s25;
	s0 =	sadd.s32 s0, s4  }
0x9: {  	s29 =	sshll.u32 s2, $0xE;
	s30 =	smax.u32 s3, $0x1;
	[dreg:$0x4] =	wrdreg s0  }
0xa: {  	[dreg:$0x5] =	wrdreg s30;
	s0 =	sadd.s32 s29, s28  }
0xb: {  	v0 =	vimm.f32 $0.0e+00;
	v1 =	vlaneseq.u32;
	v2 =	vimm.s32 $0x0;
	s1 =	simm.s32 $0x0;
	s5 =	simm.s32 $0x1;
	[dreg:$0x6] =	wrdreg s0  }
.LBB2_1:
0xc: {  	[dreg:$0x7] =	wrdreg s1  }
0xd: {  	s0 =	rddreg [dreg:$0x4]  }
0xe: {  	s30 =	sand.u32 $0xE000, s7;
	s31 =	simm.s32 $0x0;
	s2 =	simm.s32 $0x0  }
0xf: {  	[tilespmem:s7], [sflag:$0x1] =	stream.linear.gather [hbm4b:s0+s7], $0x40, $0x38;
	[tilespmem:$0x8080] =	vst v63  }
0x10: {  	s1 =	sand.u32 $0x4000, s31;
	s0 =	sshrl.u32 s30, $0x2;
	_ =	swait.ge [sflag:s5], $0x40  }
0x11: {  	s2 =	sand.u32 $0x380, s2;
	s0 =	sor.u32 s0, s1;
	[sflag:s5] =	ssyncset.done $0x0  }
0x12: {  	s0 =	sor.u32 s0, s2;
	[sflag:s5] =	ssyncadd.s32 $0xFFFFFFC0  }
0x13: {  	[tilespmem:s0+$0x4F0] =	vst v0  }
0x14: {  	[tilespmem:s0+$0x80] =	vst v0  }
0x15: {  	[tilespmem:s0+$0x90] =	vst v0  }
0x16: {  	[tilespmem:s0+$0xA0] =	vst v0  }
0x17: {  	[tilespmem:s0+$0xB0] =	vst v0  }
0x18: {  	[tilespmem:s0+$0xC0] =	vst v0  }
0x19: {  	[tilespmem:s0+$0xD0] =	vst v0  }
0x1a: {  	[tilespmem:s0+$0xE0] =	vst v0  }
0x1b: {  	[tilespmem:s0+$0xF0] =	vst v0  }
0x1c: {  	[tilespmem:s0+$0x480] =	vst v0  }
0x1d: {  	[tilespmem:s0+$0x490] =	vst v0  }
0x1e: {  	s3 =	simm.s32 $0x10;
	s1 =	simm.s32 $0x2000;
	[tilespmem:s0+$0x4A0] =	vst v0  }
0x1f: {  	s4 =	sand.u32 $0xE000, s1;
	s2 =	simm.s32 $0x2;
	s5 =	simm.s32 $0x100;
	[tilespmem:s0+$0x4B0] =	vst v0  }
.LBB2_2:
0x20: {  	p0 =	sne.s32 s2, $0x7F;
	s5 =	sand.u32 $0x4000, s5;
	s4 =	sshrl.u32 s4, $0x2;
	[tilespmem:s0+$0x4C0] =	vst v0  }
0x21: {  	s3 =	sand.u32 $0x380, s3;
	s4 =	sor.u32 s4, s5;
	[tilespmem:s0+$0x4D0] =	vst v0  }
0x22: {  	[tilespmem:s0+$0x4E0] =	vst v0;
	s0 =	sor.u32 s4, s3  }
0x23: {  	[tilespmem:s0+$0x4F0] =	vst v0  }
0x24: {  	[tilespmem:s0+$0x80] =	vst v0  }
0x25: {  	[tilespmem:s0+$0x90] =	vst v0  }
0x26: {  	[tilespmem:s0+$0xA0] =	vst v0  }
0x27: {  	[tilespmem:s0+$0xB0] =	vst v0  }
0x28: {  	[tilespmem:s0+$0xC0] =	vst v0  }
0x29: {  	[tilespmem:s0+$0xD0] =	vst v0  }
0x2a: {  	[tilespmem:s0+$0xE0] =	vst v0  }
.Ltmp0:
0x2b: {  	[tilespmem:s0+$0xF0] =	vst v0;
	(pc) =	sbr.rel @p0 .LBB2_2-.Ltmp0, $4  }
0x2c: {  	[tilespmem:s0+$0x480] =	vst v0  }
0x2d: {  	[tilespmem:s0+$0x490] =	vst v0  }
0x2e: {  	s1 =	sadd.s32 $0x2000, s1;
	s3 =	sshll.u32 s2, $0x4;
	[tilespmem:s0+$0x4A0] =	vst v0  }
0x2f: {  	s5 =	sshll.u32 s2, $0x8;
	s4 =	sand.u32 $0xE000, s1;
	s2 =	sadd.s32 $0x1, s2;
	[tilespmem:s0+$0x4B0] =	vst v0  }
0x30: {  	s1 =	sand.u32 $0x4000, s5;
	s2 =	sshrl.u32 s4, $0x2;
	[tilespmem:s0+$0x4C0] =	vst v0  }
0x31: {  	s3 =	sand.u32 $0x380, s3;
	[tilespmem:s0+$0x4D0] =	vst v0;
	s1 =	sor.u32 s2, s1  }
0x32: {  	[tilespmem:s0+$0x4E0] =	vst v0;
	s1 =	sor.u32 s1, s3  }
0x33: {  	[tilespmem:s1+$0x4F0] =	vst v0  }
0x34: {  	[tilespmem:s1+$0x80] =	vst v0  }
0x35: {  	[tilespmem:s1+$0x90] =	vst v0  }
0x36: {  	[tilespmem:s1+$0xA0] =	vst v0  }
0x37: {  	[tilespmem:s1+$0xB0] =	vst v0  }
0x38: {  	[tilespmem:s1+$0xC0] =	vst v0  }
0x39: {  	[tilespmem:s1+$0xD0] =	vst v0  }
0x3a: {  	[tilespmem:s1+$0xE0] =	vst v0  }
0x3b: {  	[tilespmem:s1+$0xF0] =	vst v0  }
0x3c: {  	[tilespmem:s1+$0x480] =	vst v0  }
0x3d: {  	[tilespmem:s1+$0x490] =	vst v0  }
0x3e: {  	[tilespmem:s1+$0x4A0] =	vst v0  }
0x3f: {  	[tilespmem:s1+$0x4B0] =	vst v0  }
0x40: {  	[tilespmem:s1+$0x4C0] =	vst v0  }
0x41: {  	[tilespmem:s1+$0x4D0] =	vst v0  }
0x42: {  	s8 =	simm.s32 $0x0;
	s14 =	rddreg [dreg:$0x6];
	[tilespmem:s1+$0x4E0] =	vst v0  }
.LBB2_4:
0x43: {  	s0 =	sshra.s32 s8, $0x2  }
0x44: {  	v3 =	vld [tilespmem:s0+$0x0];
	_ =	sdelay $0x4  }
0x45: {  	(v2sf) =	vpush v3, $0x0  }
0x46: {  	(v2sf) =	vpush v3, $0x1;
	_ =	sdelay $0x1  }
0x47: {  	(v2sf) =	vpush v3, $0x2;
	_ =	sdelay $0xb  }
0x48: {  	s15 =	spop (v2sf)  }
0x49: {  	s2 =	simm.s32 $0x1;
	(v2sf) =	vpush v3, $0x3;
	s3 =	sshra.s32 s15, $0x1F;
	s16 =	spop (v2sf)  }
0x4a: {  	p0 =	slt.s32 s15, $0x1;
	s0 =	sshrl.u32 s3, $0x1C;
	s4 =	sshra.s32 s16, $0x1F  }
0x4b: {  	(v2sf) =	vpush v3, $0x4;
	p3 =	slt.s32 s16, $0x1;
	s18 =	spop (v2sf);
	s0 =	sadd.s32 s0, s15  }
0x4c: {  	s5 =	sshra.s32 s18, $0x1F;
	p5 =	slt.s32 s18, $0x1;
	s1 =	sand.u32 $0xFFFFFFF0, s0  }
0x4d: {  	(v2sf) =	vpush v3, $0x5;
	s0 =	sshra.s32 s0, $0x4;
	p1 =	sne.s32 s15, s1;
	s1 =	sshrl.u32 s4, $0x1C  }
0x4e: {  	s15 =	sand.u32 $0xF, s15;
	p0 =	por !p0, !p1;
	s1 =	sadd.s32 s1, s16  }
0x4f: {  	p0 =	por !p0, !p0;
	s3 =	sand.u32 $0xFFFFFFF0, s1;
	s1 =	sshra.s32 s1, $0x4  }
0x50: {  	s2 =	simm.s32 @!p0 $0x0;
	p4 =	sne.s32 s16, s3;
	s3 =	simm.s32 $0x1  }
0x51: {  	s16 =	sand.u32 $0xF, s16;
	s0 =	ssub.s32 s0, s2;
	p0 =	por !p3, !p4  }
0x52: {  	s2 =	sshll.u32 s0, $0x4;
	p0 =	por !p0, !p0;
	s0 =	sshll.u32 s0, $0x7  }
0x53: {  	s2 =	sand.u32 $0x70, s2;
	s3 =	simm.s32 @!p0 $0x0;
	s0 =	sand.u32 $0xFFFFFC00, s0  }
0x54: {  	s1 =	ssub.s32 s1, s3;
	s3 =	sshrl.u32 s5, $0x1C;
	s0 =	sor.u32 s2, s0  }
0x55: {  	s4 =	sshll.u32 s1, $0x4;
	[dreg:$0x8] =	wrdreg s0;
	s7 =	sadd.s32 s3, s18  }
0x56: {  	s1 =	sshll.u32 s1, $0x7;
	s6 =	sand.u32 $0x70, s4;
	s3 =	sand.u32 $0xFFFFFFF0, s7  }
0x57: {  	s1 =	sand.u32 $0xFFFFFC00, s1;
	s4 =	simm.s32 $0x1;
	s2 =	sshra.s32 s7, $0x4  }
0x58: {  	s19 =	spop (v2sf);
	p6 =	sne.s32 s18, s3;
	s0 =	sor.u32 s6, s1  }
0x59: {  	s1 =	simm.s32 $0x1;
	s9 =	sshra.s32 s19, $0x1F;
	p0 =	por !p5, !p6  }
0x5a: {  	p1 =	slt.s32 s19, $0x1;
	[dreg:$0x9] =	wrdreg s0;
	s20 =	spop (v2sf)  }
0x5b: {  	s3 =	sshrl.u32 s9, $0x1C;
	p0 =	por !p0, !p0;
	s11 =	sshra.s32 s20, $0x1F  }
0x5c: {  	s22 =	spop (v2sf);
	p3 =	slt.s32 s20, $0x1;
	s3 =	sadd.s32 s3, s19  }
0x5d: {  	v4 =	vmov s16;
	s16 =	sand.u32 $0xF, s20;
	s4 =	simm.s32 @!p0 $0x0;
	s5 =	sand.u32 $0xFFFFFFF0, s3  }
0x5e: {  	(v2sf) =	vpush v3, $0x6;
	s21 =	sshra.s32 s22, $0x1F;
	p5 =	slt.s32 s22, $0x1;
	p2 =	sne.s32 s19, s5  }
0x5f: {  	s2 =	ssub.s32 s2, s4;
	s3 =	sshra.s32 s3, $0x4;
	p0 =	por !p1, !p2  }
0x60: {  	s10 =	sshll.u32 s2, $0x4;
	s2 =	sshll.u32 s2, $0x7;
	p0 =	por !p0, !p0  }
0x61: {  	(v2sf) =	vpush v3, $0x7;
	s0 =	sand.u32 $0x70, s10;
	s2 =	sand.u32 $0xFFFFFC00, s2;
	s1 =	simm.s32 @!p0 $0x0  }
0x62: {  	s4 =	simm.s32 $0x1;
	s0 =	sor.u32 s0, s2;
	s1 =	ssub.s32 s3, s1  }
0x63: {  	[dreg:$0xa] =	wrdreg s0;
	s3 =	sshrl.u32 s11, $0x1C;
	s12 =	sshll.u32 s1, $0x4  }
0x64: {  	(v2sf) =	vpush v3, $0x8;
	s17 =	sadd.s32 s3, s20;
	s1 =	sshll.u32 s1, $0x7;
	s13 =	sand.u32 $0x70, s12  }
0x65: {  	s3 =	sand.u32 $0xFFFFFFF0, s17;
	s1 =	sand.u32 $0xFFFFFC00, s1;
	s2 =	sshra.s32 s17, $0x4  }
0x66: {  	p4 =	sne.s32 s20, s3;
	s3 =	sshrl.u32 s21, $0x1C;
	s0 =	sor.u32 s13, s1  }
0x67: {  	s1 =	simm.s32 $0x1;
	p0 =	por !p3, !p4;
	s3 =	sadd.s32 s3, s22  }
0x68: {  	s20 =	rddreg [dreg:$0x8];
	p0 =	por !p0, !p0;
	s23 =	sand.u32 $0xFFFFFFF0, s3  }
0x69: {  	[dreg:$0xb] =	wrdreg s0;
	s4 =	simm.s32 @!p0 $0x0;
	p6 =	sne.s32 s22, s23  }
0x6a: {  	s3 =	sshra.s32 s3, $0x4;
	s2 =	ssub.s32 s2, s4;
	p0 =	por !p5, !p6  }
0x6b: {  	s4 =	simm.s32 $0x1;
	s24 =	sshll.u32 s2, $0x4;
	p0 =	por !p0, !p0  }
0x6c: {  	s2 =	sshll.u32 s2, $0x7;
	s0 =	sand.u32 $0x70, s24;
	s1 =	simm.s32 @!p0 $0x0  }
0x6d: {  	s24 =	spop (v2sf);
	s2 =	sand.u32 $0xFFFFFC00, s2;
	s1 =	ssub.s32 s3, s1  }
0x6e: {  	s25 =	sshra.s32 s24, $0x1F;
	s0 =	sor.u32 s0, s2;
	p1 =	slt.s32 s24, $0x1  }
0x6f: {  	(v2sf) =	vpush v3, $0x9;
	s26 =	sshll.u32 s1, $0x4;
	s3 =	sshrl.u32 s25, $0x1C;
	[dreg:$0xc] =	wrdreg s0  }
0x70: {  	s1 =	sshll.u32 s1, $0x7;
	s25 =	spop (v2sf);
	s28 =	sand.u32 $0x70, s26  }
0x71: {  	s29 =	sadd.s32 s3, s24;
	s30 =	sshra.s32 s25, $0x1F;
	s1 =	sand.u32 $0xFFFFFC00, s1  }
0x72: {  	(v2sf) =	vpush v3, $0xA;
	p3 =	slt.s32 s25, $0x1;
	s3 =	sand.u32 $0xFFFFFFF0, s29;
	s2 =	sshra.s32 s29, $0x4  }
0x73: {  	s17 =	sor.u32 s28, s1;
	s1 =	simm.s32 $0x1;
	s29 =	spop (v2sf)  }
0x74: {  	p2 =	sne.s32 s24, s3;
	s3 =	sshrl.u32 s30, $0x1C;
	s6 =	sshra.s32 s29, $0x1F  }
0x75: {  	(v2sf) =	vpush v3, $0xB;
	p5 =	slt.s32 s29, $0x1;
	p0 =	por !p1, !p2;
	s3 =	sadd.s32 s3, s25  }
0x76: {  	s9 =	sshrl.u32 s6, $0x1C;
	p0 =	por !p0, !p0;
	s31 =	sand.u32 $0xFFFFFFF0, s3  }
0x77: {  	s3 =	sshra.s32 s3, $0x4;
	s4 =	simm.s32 @!p0 $0x0;
	p4 =	sne.s32 s25, s31  }
0x78: {  	s25 =	sand.u32 $0xF, s25;
	s2 =	ssub.s32 s2, s4;
	p0 =	por !p3, !p4  }
0x79: {  	s4 =	simm.s32 $0x1;
	s5 =	sshll.u32 s2, $0x4;
	p0 =	por !p0, !p0  }
0x7a: {  	s2 =	sshll.u32 s2, $0x7;
	s0 =	sand.u32 $0x70, s5;
	s1 =	simm.s32 @!p0 $0x0  }
0x7b: {  	s1 =	ssub.s32 s3, s1;
	s31 =	sor.u32 s0, s2;
	s2 =	sadd.s32 s9, s29  }
0x7c: {  	s7 =	sshll.u32 s1, $0x4;
	s1 =	sshll.u32 s1, $0x7;
	s10 =	sand.u32 $0xFFFFFFF0, s2  }
0x7d: {  	s2 =	sshra.s32 s2, $0x4;
	s0 =	sand.u32 $0x70, s7;
	p6 =	sne.s32 s29, s10  }
0x7e: {  	s29 =	sand.u32 $0xF, s29;
	s30 =	spop (v2sf);
	(v2sf) =	vpush v3, $0xC;
	p0 =	por !p5, !p6  }
0x7f: {  	s11 =	sshra.s32 s30, $0x1F;
	p0 =	por !p0, !p0;
	p2 =	slt.s32 s30, $0x1  }
0x80: {  	s12 =	sshrl.u32 s11, $0x1C;
	s4 =	simm.s32 @!p0 $0x0;
	s11 =	sor.u32 s1, s0  }
0x81: {  	s1 =	spop (v2sf);
	s3 =	sadd.s32 s12, s30;
	s21 =	ssub.s32 s2, s4  }
0x82: {  	s4 =	simm.s32 $0x1;
	s6 =	sshra.s32 s1, $0x1F;
	p4 =	slt.s32 s1, $0x1  }
0x83: {  	s13 =	sand.u32 $0xFFFFFFF0, s3;
	s2 =	sshll.u32 s21, $0x4;
	s3 =	sshra.s32 s3, $0x4  }
0x84: {  	s23 =	sshll.u32 s21, $0x7;
	s6 =	sshrl.u32 s6, $0x1C;
	s5 =	spop (v2sf)  }
0x85: {  	p3 =	sne.s32 s30, s13;
	s2 =	sand.u32 $0x70, s2;
	s26 =	sand.u32 $0xFFFFFC00, s23  }
0x86: {  	(v2sf) =	vpush v3, $0xD;
	s6 =	sadd.s32 s6, s1;
	s7 =	sshra.s32 s5, $0x1F;
	p0 =	por !p2, !p3  }
0x87: {  	s21 =	sor.u32 s2, s26;
	s7 =	sshrl.u32 s7, $0x1C;
	p0 =	por !p0, !p0  }
0x88: {  	p2 =	slt.s32 s5, $0x1;
	s9 =	sadd.s32 s7, s5;
	s4 =	simm.s32 @!p0 $0x0  }
0x89: {  	s10 =	sand.u32 $0xFFFFFFF0, s9;
	s2 =	sshra.s32 s9, $0x4;
	s3 =	ssub.s32 s3, s4  }
0x8a: {  	s4 =	sand.u32 $0xFFFFFFF0, s6;
	s28 =	sshll.u32 s3, $0x4;
	s3 =	sshll.u32 s3, $0x7  }
0x8b: {  	(v2sf) =	vpush v3, $0xE;
	p5 =	sne.s32 s1, s4;
	s0 =	sand.u32 $0x70, s28;
	s3 =	sand.u32 $0xFFFFFC00, s3  }
0x8c: {  	p6 =	sne.s32 s5, s10;
	p0 =	por !p4, !p5;
	s23 =	sor.u32 s0, s3  }
0x8d: {  	p0 =	por !p0, !p0;
	s3 =	simm.s32 $0x1;
	s4 =	spop (v2sf);
	(v2sf) =	vpush v3, $0xF  }
0x8e: {  	s6 =	sshra.s32 s6, $0x4;
	p2 =	por !p2, !p6;
	s3 =	simm.s32 @!p0 $0x0  }
0x8f: {  	p0 =	por !p2, !p2;
	s3 =	ssub.s32 s6, s3;
	s6 =	simm.s32 $0x1  }
0x90: {  	s5 =	sand.u32 $0xF, s5;
	s6 =	simm.s32 @!p0 $0x0;
	s26 =	sshll.u32 s3, $0x4  }
0x91: {  	s3 =	sshll.u32 s3, $0x7;
	v3 =	vmov s15;
	s15 =	sand.u32 $0xF, s19;
	s19 =	sand.u32 $0xF, s24  }
0x92: {  	s24 =	rddreg [dreg:$0xa];
	s12 =	sshra.s32 s4, $0x1F;
	s2 =	ssub.s32 s2, s6  }
0x93: {  	s7 =	sand.u32 $0x70, s26;
	s3 =	sand.u32 $0xFFFFFC00, s3;
	p4 =	slt.s32 s4, $0x1  }
0x94: {  	s13 =	sshrl.u32 s12, $0x1C;
	s9 =	sshll.u32 s2, $0x4;
	s26 =	sor.u32 s7, s3  }
0x95: {  	s2 =	sshll.u32 s2, $0x7;
	s3 =	spop (v2sf);
	s6 =	sadd.s32 s13, s4  }
0x96: {  	s2 =	sand.u32 $0xFFFFFC00, s2;
	s0 =	sshra.s32 s3, $0x1F;
	s28 =	sand.u32 $0xFFFFFFF0, s6  }
0x97: {  	p6 =	slt.s32 s3, $0x1;
	s6 =	sshra.s32 s6, $0x4;
	p3 =	sne.s32 s4, s28  }
0x98: {  	s28 =	sand.u32 $0x70, s9;
	s9 =	sshrl.u32 s0, $0x1C;
	s0 =	simm.s32 $0x1  }
0x99: {  	p0 =	por !p4, !p3;
	s9 =	sadd.s32 s9, s3;
	s28 =	sor.u32 s28, s2  }
0x9a: {  	s2 =	spop (v2sf);
	p0 =	por !p0, !p0;
	s7 =	sand.u32 $0xFFFFFFF0, s9  }
0x9b: {  	s12 =	sshra.s32 s2, $0x1F;
	s0 =	simm.s32 @!p0 $0x0;
	p5 =	sne.s32 s3, s7  }
0x9c: {  	s10 =	ssub.s32 s6, s0;
	s0 =	sshra.s32 s9, $0x4;
	s7 =	spop (v2sf)  }
0x9d: {  	p0 =	por !p6, !p5;
	s6 =	sshrl.u32 s12, $0x1C;
	s13 =	sshra.s32 s7, $0x1F  }
0x9e: {  	p0 =	por !p0, !p0;
	s12 =	sshrl.u32 s13, $0x1C;
	s13 =	simm.s32 $0x1  }
0x9f: {  	s9 =	sadd.s32 s6, s2;
	s13 =	simm.s32 @!p0 $0x0;
	s6 =	sadd.s32 s12, s7  }
0xa0: {  	v47 =	vmov s15;
	s15 =	sor.u32 $0x380, s31;
	s12 =	ssub.s32 s0, s13;
	s13 =	sand.u32 $0xFFFFFFF0, s6  }
0xa1: {  	vm0 =	veq.s32 v3, v1;
	s3 =	sand.u32 $0xF, s3;
	p4 =	sne.s32 s7, s13;
	s13 =	sand.u32 $0xF, s18  }
0xa2: {  	vm13 =	veq.s32 v4, v1;
	v5 =	vsel vm0, $0x3F800000, v2;
	p5 =	slt.s32 s2, $0x1;
	s31 =	sshll.u32 s10, $0x4;
	s10 =	sshll.u32 s10, $0x7;
	v3 =	vmov s13  }
0xa3: {  	v48 =	vsel vm13, $0x3F800000, v2;
	v53 =	vmov s25;
	[tilespmem:s20+$0x80] =	vst v5;
	s10 =	sand.u32 $0xFFFFFC00, s10;
	s18 =	sand.u32 $0xF, s22;
	s22 =	rddreg [dreg:$0x9];
	vm14 =	veq.s32 v3, v1  }
0xa4: {  	vm15 =	veq.s32 v47, v1;
	p3 =	slt.s32 s7, $0x1;
	s0 =	sand.u32 $0xFFFFFFF0, s9;
	s9 =	sshra.s32 s9, $0x4;
	[tilespmem:s22+$0x100] =	vst v48;
	v3 =	vmov s16;
	v49 =	vsel vm14, $0x3F800000, v2  }
0xa5: {  	v51 =	vsel vm15, $0x3F800000, v2;
	s6 =	sshra.s32 s6, $0x4;
	p2 =	sne.s32 s2, s0;
	v50 =	vmov s18;
	s18 =	rddreg [dreg:$0xb];
	vm4 =	veq.s32 v3, v1;
	[tilespmem:s24+$0x180] =	vst v49  }
0xa6: {  	s0 =	sor.u32 $0x380, s11;
	s25 =	sshll.u32 s12, $0x4;
	vm5 =	veq.s32 v50, v1;
	v3 =	vmov s19;
	s19 =	rddreg [dreg:$0xc];
	v52 =	vsel vm4, $0x3F800000, v2;
	[tilespmem:s18+$0x200] =	vst v51  }
0xa7: {  	s12 =	sshll.u32 s12, $0x7;
	s2 =	sand.u32 $0xF, s2;
	p1 =	por !p5, !p2;
	v54 =	vsel vm5, $0x3F800000, v2;
	vm6 =	veq.s32 v3, v1;
	[tilespmem:s19+$0x280] =	vst v52  }
0xa8: {  	vm7 =	veq.s32 v53, v1;
	p6 =	por !p3, !p4;
	s13 =	sand.u32 $0xF, s30;
	s30 =	sand.u32 $0x70, s25;
	v3 =	vmov s29;
	v55 =	vsel vm6, $0x3F800000, v2;
	[tilespmem:s17+$0x300] =	vst v54  }
0xa9: {  	v57 =	vsel vm7, $0x3F800000, v2;
	s16 =	sand.u32 $0xF, s1;
	s1 =	sand.u32 $0x70, s31;
	s31 =	sand.u32 $0xFFFFFC00, s12;
	v56 =	vmov s13;
	vm8 =	veq.s32 v3, v1;
	[tilespmem:s15+$0x0] =	vst v55  }
0xaa: {  	p1 =	por !p1, !p1;
	p0 =	por !p6, !p6;
	s12 =	simm.s32 $0x1;
	vm9 =	veq.s32 v56, v1;
	v58 =	vmov s16;
	v3 =	vsel vm8, $0x3F800000, v2;
	[tilespmem:s0+$0x80] =	vst v57  }
0xab: {  	v59 =	vmov s5;
	s1 =	sor.u32 s1, s10;
	s10 =	simm.s32 $0x1;
	s29 =	sand.u32 $0xF, s4;
	vm10 =	veq.s32 v58, v1;
	[tilespmem:s21+$0x4080] =	vst v3;
	v3 =	vsel vm9, $0x3F800000, v2  }
0xac: {  	vm11 =	veq.s32 v59, v1;
	s12 =	simm.s32 @!p0 $0x0;
	s4 =	sor.u32 s30, s31;
	s10 =	simm.s32 @!p1 $0x0;
	v60 =	vmov s29;
	[tilespmem:s23+$0x4100] =	vst v3;
	v3 =	vsel vm10, $0x3F800000, v2  }
0xad: {  	v61 =	vmov s3;
	s5 =	ssub.s32 s6, s12;
	s11 =	ssub.s32 s9, s10;
	s29 =	sand.u32 $0xF, s7;
	vm12 =	veq.s32 v60, v1;
	[tilespmem:s26+$0x4180] =	vst v3;
	v3 =	vsel vm11, $0x3F800000, v2  }
0xae: {  	vm13 =	veq.s32 v61, v1;
	v62 =	vmov s2;
	s30 =	sshll.u32 s5, $0x4;
	s13 =	sshll.u32 s11, $0x4;
	s6 =	sshll.u32 s11, $0x7;
	[tilespmem:s28+$0x4200] =	vst v3;
	v3 =	vsel vm12, $0x3F800000, v2  }
0xaf: {  	vm14 =	veq.s32 v62, v1;
	s5 =	sshll.u32 s5, $0x7;
	v63 =	vmov s29;
	s16 =	sand.u32 $0x70, s13;
	s25 =	sand.u32 $0xFFFFFC00, s6;
	[tilespmem:s1+$0x4280] =	vst v3;
	v3 =	vsel vm13, $0x3F800000, v2  }
0xb0: {  	s3 =	sand.u32 $0x70, s30;
	s5 =	sand.u32 $0xFFFFFC00, s5;
	vm15 =	veq.s32 v63, v1;
	s2 =	sor.u32 s16, s25;
	[tilespmem:s4+$0x4300] =	vst v3;
	v3 =	vsel vm14, $0x3F800000, v2  }
0xb1: {  	s3 =	sor.u32 s3, s5;
	[tilespmem:s2+$0x4380] =	vst v3;
	v3 =	vsel vm15, $0x3F800000, v2  }
0xb2: {  	s31 =	rddreg [dreg:$0x3];
	s7 =	simm.s32 $0x0;
	s5 =	simm.s32 $0x1;
	[tilespmem:s3+$0x4400] =	vst v3  }
0xb3: {  	[hbm4b:s14+s7] =	stream.linear.scatter [tilespmem:s31], [sflag:$0x1], $0x8000, $0x38;
	[tilespmem:$0x8080] =	vst v63  }
0xb4: {  	_ =	swait.ge [sflag:s5], $0x8000  }
0xb5: {  	[sflag:s5] =	ssyncset.done $0x0  }
0xb6: {  	[sflag:s5] =	ssyncadd.s32 $0xFFFF8000  }
0xb7: {  	[tilespmem:s20+$0x80] =	vst v0  }
0xb8: {  	[tilespmem:s22+$0x100] =	vst v0  }
0xb9: {  	[tilespmem:s24+$0x180] =	vst v0  }
0xba: {  	[tilespmem:s18+$0x200] =	vst v0  }
0xbb: {  	[tilespmem:s19+$0x280] =	vst v0  }
0xbc: {  	[tilespmem:s17+$0x300] =	vst v0  }
0xbd: {  	[tilespmem:s15+$0x0] =	vst v0  }
0xbe: {  	[tilespmem:s0+$0x80] =	vst v0  }
0xbf: {  	[tilespmem:s21+$0x4080] =	vst v0  }
0xc0: {  	[tilespmem:s23+$0x4100] =	vst v0  }
0xc1: {  	p0 =	sne.s32 s8, $0xC0;
	[tilespmem:s26+$0x4180] =	vst v0  }
.Ltmp1:
0xc2: {  	[tilespmem:s28+$0x4200] =	vst v0;
	(pc) =	sbr.rel @p0 .LBB2_4-.Ltmp1, $4  }
0xc3: {  	[tilespmem:s1+$0x4280] =	vst v0  }
0xc4: {  	[tilespmem:s4+$0x4300] =	vst v0  }
0xc5: {  	[tilespmem:s2+$0x4380] =	vst v0  }
0xc6: {  	s8 =	sadd.s32 $0x40, s8;
	s14 =	sadd.s32 $0x1000, s14;
	[tilespmem:s3+$0x4400] =	vst v0  }
0xc7: {  	s1 =	rddreg [dreg:$0x7]  }
0xc8: {  	s0 =	rddreg [dreg:$0x5];
	s1 =	sadd.s32 $0x1, s1  }
0xc9: {  	p0 =	sne.s32 s1, s0  }
.Ltmp2:
0xca: {  	_ = 	snop;
	(pc) =	sbr.rel @p0 .LBB2_1-.Ltmp2, $1  }
0xcb: {  	_ =	sdelay $0x3  }
0xcc: {  	_ =	sfence.sel $0x180000  }
0xcd: {  	[bflag:$0x0] =	sbarrier.arrive $0xFFFF  }
0xce: {  	_ =	strace $0x90000047  }
0xcf: {  	s0 =	stileid.u32;
	[bflag:$0x2] =	sbarrier.arrive $0xFFFF  }
0xd0: {  	p0 =	sne.s32 s0, $0x0;
	s0 =	rddreg [dreg:$0x2]  }
0xd1: {  	s0 =	sadd.s32 @!p0 $0x100000, s0  }
0xd2: {  	[sflag:s0] =	ssyncadd.tile.s32 @!p0 $0x1;
	_ =	shalt  }
.Lfunc_end2:
_tile_overlayer_lowered:
.L_overlay_start_2:
0xd3: {  	(tag) =	ssettag $0x2  }
0xd4: {  	s0 =	rddreg [dreg:$0x0];
	s2 =	stileid.u32  }
0xd5: {  	s1 =	rddreg [dreg:$0x1];
	p0 =	sne.s32 s2, $0x0  }
0xd6: {  	s3 =	rddreg [dreg:$0x2];
	[bflag:$0x3] =	sbarrier.arrive $0xFFFF;
	s2 =	simm.s32 @!p0 $0x1C01  }
0xd7: {  	[timem:s3], [sflag:s2] =	dma.local @!p0 [hbm:s0], s1  }
0xd8: {  	s0 =	simm.s32 @!p0 $0x1  }
0xd9: {  	_ =	swait.ge @!p0 [sflag:s0], s1  }
0xda: {  	s1 =	ssub.s32 @!p0 $0x0, s1;
	[sflag:s0] =	ssyncset.done @!p0 $0x0  }
0xdb: {  	[sflag:s0] =	ssyncadd.s32 @!p0 s1  }
0xdc: {  	[bflag:$0x3] =	sbarrier.arrive $0xFFFF  }
0xdd: {  	_ =	shalt  }

</sc_bundles>
